<compile_context>
chip_gen: v7x
topology: tpu7x:2x2x1
jax: 0.10.2.dev20260603
libtpu: 0.0.44.dev20260713+nightly
codegen_flags: <defaults>
</compile_context>

<pallas_src>
import functools

import jax
import jax.numpy as jnp
from jax import lax
from jax.experimental import pallas as pl
from jax.experimental.pallas import tpu as pltpu
from jax.experimental.pallas import tpu_sc as plsc

B = 16
L = 4096
S = 4096
NUM_SPECIAL = 4
BUDGET = S - NUM_SPECIAL
START_VALUE = 0
END_VALUE = 2
PAD_VALUE = 1

_LANES = 16
_HALF = S // 2
_CHUNKS = _HALF // _LANES

_mesh = plsc.VectorSubcoreMesh(core_axis_name="c", subcore_axis_name="s")


@functools.partial(
    pl.kernel,
    mesh=_mesh,
    out_type=jax.ShapeDtypeStruct((B, S), jnp.int32),
    scratch_types=[
        pltpu.VMEM((L,), jnp.int32),
        pltpu.VMEM((L,), jnp.int32),
        pltpu.VMEM((_HALF,), jnp.int32),
        pltpu.VMEM((_LANES,), jnp.int32),
        pltpu.VMEM((_LANES,), jnp.int32),
        pltpu.VMEM((3 * _LANES,), jnp.int32),
        pltpu.VMEM((3 * _LANES,), jnp.int32),
        pltpu.SemaphoreType.DMA,
        pltpu.SemaphoreType.DMA,
        pltpu.SemaphoreType.DMA,
    ],
)
def _pack(seg1_hbm, len1_hbm, seg2_hbm, len2_hbm, out_hbm,
          s1_v, s2_v, o_v, l1_v, l2_v, b1_v, b2_v, sem1, sem2, seml):
    wid = lax.axis_index("s") * 2 + lax.axis_index("c")
    row = wid // 2
    half = wid % 2
    c0 = half * _HALF
    jlo = half * _CHUNKS
    jhi = jlo + _CHUNKS

    cl1 = pltpu.async_copy(len1_hbm, l1_v, seml)
    cl2 = pltpu.async_copy(len2_hbm, l2_v, seml)
    cs1 = pltpu.async_copy(seg1_hbm.at[row], s1_v, sem1)
    cs2 = pltpu.async_copy(seg2_hbm.at[row], s2_v, sem2)
    cl1.wait()
    cl2.wait()

    b1_v[pl.ds(0, _LANES)] = l1_v[...]
    b2_v[pl.ds(0, _LANES)] = l2_v[...]
    l1 = b1_v[pl.ds(row, _LANES)][0]
    l2 = b2_v[pl.ds(row, _LANES)][0]

    t1 = jnp.maximum(jnp.minimum(l1, BUDGET - jnp.minimum(l2, BUDGET // 2)), 0)
    t2 = jnp.maximum(jnp.minimum(l2, BUDGET - t1), 0)

    ja = (1 + t1) // _LANES
    jb = (3 + t1) // _LANES
    jc = (3 + t1 + t2) // _LANES

    iota = lax.iota(jnp.int32, _LANES)
    pad = jnp.full((_LANES,), PAD_VALUE, jnp.int32)
    end = jnp.full((_LANES,), END_VALUE, jnp.int32)
    start = jnp.full((_LANES,), START_VALUE, jnp.int32)

    cs1.wait()
    cs2.wait()

    lo1 = jnp.maximum(jlo, 1)
    hi1 = jnp.maximum(jnp.minimum(jhi, ja), lo1)

    @plsc.parallel_loop(lo1, hi1, unroll=4)
    def _(j):
        o_v[pl.ds(j * _LANES - c0, _LANES)] = s1_v[pl.ds(j * _LANES - 1, _LANES)]

    lo2 = jnp.maximum(jlo, jb + 1)
    hi2 = jnp.maximum(jnp.minimum(jhi, jc), lo2)
    sh2 = 3 + t1

    @plsc.parallel_loop(lo2, hi2, unroll=4)
    def _(j):
        o_v[pl.ds(j * _LANES - c0, _LANES)] = s2_v[pl.ds(j * _LANES - sh2, _LANES)]

    lo3 = jnp.maximum(jlo, jc + 1)
    hi3 = jnp.maximum(jhi, lo3)

    @plsc.parallel_loop(lo3, hi3, unroll=4)
    def _(j):
        o_v[pl.ds(j * _LANES - c0, _LANES)] = pad

    def shifted_window(seg_v, bounce_v, startu):
        st = jnp.clip(startu, 0, L - _LANES)
        bounce_v[pl.ds(_LANES, _LANES)] = seg_v[pl.ds(st, _LANES)]
        d = jnp.clip(startu - st, -_LANES, _LANES)
        return bounce_v[pl.ds(_LANES + d, _LANES)]

    def fix_chunk(k, carry):
        j = jnp.where(k == 0, 0, jnp.where(k == 1, ja, jnp.where(k == 2, jb, jc)))

        @pl.when((j >= jlo) & (j < jhi))
        def _():
            p0 = j * _LANES
            pos = iota + p0
            g1 = shifted_window(s1_v, b1_v, p0 - 1)
            g2 = shifted_window(s2_v, b2_v, p0 - 3 - t1)

            out = jnp.where((pos >= 3 + t1) & (pos < 3 + t1 + t2), g2, pad)
            out = jnp.where((pos >= 1) & (pos < 1 + t1), g1, out)
            is_end = (pos == 1 + t1) | (pos == 2 + t1) | (pos == 3 + t1 + t2)
            out = jnp.where(is_end, end, out)
            out = jnp.where(pos == 0, start, out)
            o_v[pl.ds(p0 - c0, _LANES)] = out

        return carry

    lax.fori_loop(0, 4, fix_chunk, 0)

    pltpu.sync_copy(o_v, out_hbm.at[row, pl.ds(c0, _HALF)])


def kernel(seg1, len1, seg2, len2):
    return _pack(seg1.astype(jnp.int32), len1.astype(jnp.int32),
                 seg2.astype(jnp.int32), len2.astype(jnp.int32))

# --- scband reference (transcript-rebuilt; emitter-appended) ---
"""Pipeline reference for scband-roberta-multi-segment-packer-26388279067161 (READ-ONLY COPY).

The authoritative reference and input builder live on the scoring server;
editing this copy changes nothing except your own understanding.
"""

import jax, jax.numpy as jnp
import numpy as np

SEQUENCE_LENGTH = 4096
START_VALUE = 0
END_VALUE = 2
PAD_VALUE = 1
B, L = 16, 4096
VOCAB = 50265


def setup_inputs(seed: int = 0) -> dict:
    key = jax.random.key(seed)
    k1, k2, k3, k4 = jax.random.split(key, 4)
    seg1 = jax.random.randint(k1, (B, L), 0, VOCAB, dtype=jnp.int32)
    len1 = jax.random.randint(k2, (B,), 0, L, dtype=jnp.int32)
    seg2 = jax.random.randint(k3, (B, L), 0, VOCAB, dtype=jnp.int32)
    len2 = jax.random.randint(k4, (B,), 0, L, dtype=jnp.int32)
    return {"seg1": seg1, "len1": len1, "seg2": seg2, "len2": len2}


def reference(seg1, len1, seg2, len2):
    # Ragged segments are represented as dense [B, L] token buffers plus per-row
    # valid lengths. This mirrors RobertaMultiSegmentPacker.call with 2 segments:
    #   1) RoundRobinTrimmer trims segments to fit budget = seq_len - 2*num_segs
    #   2) pack as [start] seg1 [end, end] seg2 [end]
    #   3) pad to sequence_length with pad_value.
    S = SEQUENCE_LENGTH
    num_special = 4  # 2 * num_segments
    budget = S - num_special
    l1 = len1.astype(jnp.int32)
    l2 = len2.astype(jnp.int32)
    # Round-robin trimming closed form for 2 segments (seg1 gets the odd extra):
    t1 = jnp.minimum(l1, budget - jnp.minimum(l2, budget // 2))
    t1 = jnp.maximum(t1, 0)
    t2 = jnp.maximum(jnp.minimum(l2, budget - t1), 0)

    pos = jnp.arange(S, dtype=jnp.int32)[None, :]  # [1, S]
    t1c = t1[:, None]
    t2c = t2[:, None]

    in_seg1 = (pos >= 1) & (pos < 1 + t1c)
    in_seg2 = (pos >= 3 + t1c) & (pos < 3 + t1c + t2c)
    is_start = pos == 0
    is_end = (pos == 1 + t1c) | (pos == 2 + t1c) | (pos == 3 + t1c + t2c)

    idx1 = jnp.broadcast_to(jnp.clip(pos - 1, 0, L - 1), (B, S)).astype(jnp.int32)
    g1 = jnp.take_along_axis(seg1, idx1, axis=1)
    idx2 = jnp.clip(pos - 3 - t1c, 0, L - 1).astype(jnp.int32)
    g2 = jnp.take_along_axis(seg2, idx2, axis=1)

    out = jnp.full((B, S), PAD_VALUE, dtype=seg1.dtype)
    out = jnp.where(in_seg2, g2, out)
    out = jnp.where(in_seg1, g1, out)
    out = jnp.where(is_end, jnp.asarray(END_VALUE, dtype=seg1.dtype), out)
    out = jnp.where(is_start, jnp.asarray(START_VALUE, dtype=seg1.dtype), out)
    return out

if __name__ == "__main__":
    import jax
    _d = setup_inputs()
    print(jax.jit(kernel)(*tuple(_d.values())))

</pallas_src>

<mosaic_0001>
#map = affine_map<(d0, d1) -> (0, 0)>
#map1 = affine_map<(d0, d1) -> (0)>
module attributes {stable_mosaic.version = 14 : i64} {
  func.func @_pack(%arg0: i32, %arg1: i32, %arg2: memref<16x4096xi32, #tpu.memory_space<hbm>>, %arg3: memref<16xi32, #tpu.memory_space<hbm>>, %arg4: memref<16x4096xi32, #tpu.memory_space<hbm>>, %arg5: memref<16xi32, #tpu.memory_space<hbm>>, %arg6: memref<16x4096xi32, #tpu.memory_space<hbm>>, %arg7: memref<4096xi32, #tpu.memory_space<vmem>>, %arg8: memref<4096xi32, #tpu.memory_space<vmem>>, %arg9: memref<2048xi32, #tpu.memory_space<vmem>>, %arg10: memref<16xi32, #tpu.memory_space<vmem>>, %arg11: memref<16xi32, #tpu.memory_space<vmem>>, %arg12: memref<48xi32, #tpu.memory_space<vmem>>, %arg13: memref<48xi32, #tpu.memory_space<vmem>>, %arg14: memref<!tpu.dma_semaphore, #tpu.memory_space<semaphore_mem>>, %arg15: memref<!tpu.dma_semaphore, #tpu.memory_space<semaphore_mem>>, %arg16: memref<!tpu.dma_semaphore, #tpu.memory_space<semaphore_mem>>) attributes {dimension_semantics = [#tpu.dimension_semantics<core_parallel>, #tpu.dimension_semantics<subcore_parallel>], iteration_bounds = array<i64: 2, 16>, scalar_prefetch = 0 : i64, scratch_operands = 10 : i64, tpu.core_type = #tpu.core_type<sc_vector_subcore>, window_params = [{transform_indices = #map}, {transform_indices = #map1}, {transform_indices = #map}, {transform_indices = #map1}, {transform_indices = #map}]} {
    %mul3A = arith.constant 2 : i32
    %mul3A_0 = arith.muli %arg1, %mul3A : i32
    %add3A = arith.addi %mul3A_0, %arg0 : i32
    %jit3A = arith.constant 2 : i32
    %div3A = arith.divsi %add3A, %jit3A : i32
    %sign3A = arith.constant 0 : i32
    %sign3A_1 = arith.cmpi sgt, %add3A, %sign3A : i32
    %sign3A_2 = arith.extui %sign3A_1 : i1 to i32
    %sign3A_3 = arith.constant 0 : i32
    %sign3A_4 = arith.cmpi slt, %add3A, %sign3A_3 : i32
    %sign3A_5 = arith.extui %sign3A_4 : i1 to i32
    %sign3A_6 = arith.subi %sign3A_2, %sign3A_5 : i32
    %sign3A_7 = arith.constant 0 : i32
    %sign3A_8 = arith.cmpi sgt, %jit3A, %sign3A_7 : i32
    %sign3A_9 = arith.extui %sign3A_8 : i1 to i32
    %sign3A_10 = arith.constant 0 : i32
    %sign3A_11 = arith.cmpi slt, %jit3A, %sign3A_10 : i32
    %sign3A_12 = arith.extui %sign3A_11 : i1 to i32
    %sign3A_13 = arith.subi %sign3A_9, %sign3A_12 : i32
    %ne3A = arith.cmpi ne, %sign3A_6, %sign3A_13 : i32
    %rem3A = arith.remsi %add3A, %jit3A : i32
    %ne3A_14 = arith.constant 0 : i32
    %ne3A_15 = arith.cmpi ne, %rem3A, %ne3A_14 : i32
    %and3A = arith.andi %ne3A, %ne3A_15 : i1
    %sub3A = arith.constant 1 : i32
    %sub3A_16 = arith.subi %div3A, %sub3A : i32
    %select_n3A = arith.select %and3A, %sub3A_16, %div3A : i32
    %jit3A_17 = arith.constant 2 : i32
    %eq3A = arith.constant 0 : i32
    %eq3A_18 = arith.cmpi eq, %jit3A_17, %eq3A : i32
    %jit3A_19 = arith.constant 1 : i32
    %select_n3A_20 = arith.select %eq3A_18, %jit3A_19, %jit3A_17 : i32
    %rem3A_21 = arith.remsi %add3A, %select_n3A_20 : i32
    %ne3A_22 = arith.constant 0 : i32
    %ne3A_23 = arith.cmpi ne, %rem3A_21, %ne3A_22 : i32
    %lt3A = arith.constant 0 : i32
    %lt3A_24 = arith.cmpi slt, %rem3A_21, %lt3A : i32
    %lt3A_25 = arith.constant 0 : i32
    %lt3A_26 = arith.cmpi slt, %select_n3A_20, %lt3A_25 : i32
    %ne3A_27 = arith.xori %lt3A_24, %lt3A_26 : i1
    %and3A_28 = arith.andi %ne3A_27, %ne3A_23 : i1
    %add3A_29 = arith.addi %rem3A_21, %select_n3A_20 : i32
    %select_n3A_30 = arith.select %and3A_28, %add3A_29, %rem3A_21 : i32
    %mul3A_31 = arith.constant 2048 : i32
    %mul3A_32 = arith.muli %select_n3A_30, %mul3A_31 : i32
    %mul3A_33 = arith.constant 128 : i32
    %mul3A_34 = arith.muli %select_n3A_30, %mul3A_33 : i32
    %add3A_35 = arith.constant 128 : i32
    %add3A_36 = arith.addi %mul3A_34, %add3A_35 : i32
    tpu.enqueue_dma source(%arg3 : memref<16xi32, #tpu.memory_space<hbm>>) target(%arg10 : memref<16xi32, #tpu.memory_space<vmem>>) target_semaphore(%arg16 : memref<!tpu.dma_semaphore, #tpu.memory_space<semaphore_mem>>)
    tpu.enqueue_dma source(%arg5 : memref<16xi32, #tpu.memory_space<hbm>>) target(%arg11 : memref<16xi32, #tpu.memory_space<vmem>>) target_semaphore(%arg16 : memref<!tpu.dma_semaphore, #tpu.memory_space<semaphore_mem>>)
    %dma_start3A = arith.constant 0 : i32
    %dma_start3A_37 = tpu.memref_slice %arg2[%select_n3A, %dma_start3A] : memref<16x4096xi32, #tpu.memory_space<hbm>> -> memref<1x4096xi32, #tpu.memory_space<hbm>>
    %dma_start3A_38 = tpu.memref_squeeze %dma_start3A_37 : memref<1x4096xi32, #tpu.memory_space<hbm>> -> memref<4096xi32, #tpu.memory_space<hbm>>
    %dma_start3A_39 = arith.constant 0 : i32
    %dma_start3A_40 = tpu.memref_slice %arg2[%select_n3A, %dma_start3A_39] : memref<16x4096xi32, #tpu.memory_space<hbm>> -> memref<1x4096xi32, #tpu.memory_space<hbm>>
    %dma_start3A_41 = tpu.memref_squeeze %dma_start3A_40 : memref<1x4096xi32, #tpu.memory_space<hbm>> -> memref<4096xi32, #tpu.memory_space<hbm>>
    tpu.enqueue_dma source(%dma_start3A_41 : memref<4096xi32, #tpu.memory_space<hbm>>) target(%arg7 : memref<4096xi32, #tpu.memory_space<vmem>>) target_semaphore(%arg14 : memref<!tpu.dma_semaphore, #tpu.memory_space<semaphore_mem>>)
    %dma_start3A_42 = arith.constant 0 : i32
    %dma_start3A_43 = tpu.memref_slice %arg4[%select_n3A, %dma_start3A_42] : memref<16x4096xi32, #tpu.memory_space<hbm>> -> memref<1x4096xi32, #tpu.memory_space<hbm>>
    %dma_start3A_44 = tpu.memref_squeeze %dma_start3A_43 : memref<1x4096xi32, #tpu.memory_space<hbm>> -> memref<4096xi32, #tpu.memory_space<hbm>>
    %dma_start3A_45 = arith.constant 0 : i32
    %dma_start3A_46 = tpu.memref_slice %arg4[%select_n3A, %dma_start3A_45] : memref<16x4096xi32, #tpu.memory_space<hbm>> -> memref<1x4096xi32, #tpu.memory_space<hbm>>
    %dma_start3A_47 = tpu.memref_squeeze %dma_start3A_46 : memref<1x4096xi32, #tpu.memory_space<hbm>> -> memref<4096xi32, #tpu.memory_space<hbm>>
    tpu.enqueue_dma source(%dma_start3A_47 : memref<4096xi32, #tpu.memory_space<hbm>>) target(%arg8 : memref<4096xi32, #tpu.memory_space<vmem>>) target_semaphore(%arg15 : memref<!tpu.dma_semaphore, #tpu.memory_space<semaphore_mem>>)
    tpu.wait_dma2 semaphore(%arg16 : memref<!tpu.dma_semaphore, #tpu.memory_space<semaphore_mem>>) src(%arg3 : memref<16xi32, #tpu.memory_space<hbm>>) dst(%arg10 : memref<16xi32, #tpu.memory_space<vmem>>)
    tpu.wait_dma2 semaphore(%arg16 : memref<!tpu.dma_semaphore, #tpu.memory_space<semaphore_mem>>) src(%arg5 : memref<16xi32, #tpu.memory_space<hbm>>) dst(%arg11 : memref<16xi32, #tpu.memory_space<vmem>>)
    %get3A = arith.constant 0 : index
    %get3A_48 = tpu.vector_load %arg10[%get3A] {strides = array<i32>} : memref<16xi32, #tpu.memory_space<vmem>>, vector<16xi32>,
    %get3A_49 = vector.shape_cast %get3A_48 : vector<16xi32> to vector<16xi32>
    %swap3A = arith.constant 0 : index
    %swap3A_50 = tpu.vector_load %arg12[%swap3A] {strides = array<i32>} : memref<48xi32, #tpu.memory_space<vmem>>, vector<16xi32>,
    %swap3A_51 = vector.shape_cast %swap3A_50 : vector<16xi32> to vector<16xi32>
    %swap3A_52 = vector.shape_cast %get3A_49 : vector<16xi32> to vector<16xi32>
    tpu.vector_store %arg12[%swap3A], %swap3A_52 {strides = array<i32>} : memref<48xi32, #tpu.memory_space<vmem>>, vector<16xi32>,
    %get3A_53 = arith.constant 0 : index
    %get3A_54 = tpu.vector_load %arg11[%get3A_53] {strides = array<i32>} : memref<16xi32, #tpu.memory_space<vmem>>, vector<16xi32>,
    %get3A_55 = vector.shape_cast %get3A_54 : vector<16xi32> to vector<16xi32>
    %swap3A_56 = arith.constant 0 : index
    %swap3A_57 = tpu.vector_load %arg13[%swap3A_56] {strides = array<i32>} : memref<48xi32, #tpu.memory_space<vmem>>, vector<16xi32>,
    %swap3A_58 = vector.shape_cast %swap3A_57 : vector<16xi32> to vector<16xi32>
    %swap3A_59 = vector.shape_cast %get3A_55 : vector<16xi32> to vector<16xi32>
    tpu.vector_store %arg13[%swap3A_56], %swap3A_59 {strides = array<i32>} : memref<48xi32, #tpu.memory_space<vmem>>, vector<16xi32>,
    %get3A_60 = arith.index_cast %select_n3A : i32 to index
    %get3A_61 = tpu.vector_load %arg12[%get3A_60] {strides = array<i32>} : memref<48xi32, #tpu.memory_space<vmem>>, vector<16xi32>,
    %get3A_62 = vector.shape_cast %get3A_61 : vector<16xi32> to vector<16xi32>
    %slice3A = vector.extract_strided_slice %get3A_62 {offsets = [0], sizes = [1], strides = [1]} : vector<16xi32> to vector<1xi32>
    %squeeze3A = vector.extract %slice3A[0] : i32 from vector<1xi32>
    %get3A_63 = arith.index_cast %select_n3A : i32 to index
    %get3A_64 = tpu.vector_load %arg13[%get3A_63] {strides = array<i32>} : memref<48xi32, #tpu.memory_space<vmem>>, vector<16xi32>,
    %get3A_65 = vector.shape_cast %get3A_64 : vector<16xi32> to vector<16xi32>
    %slice3A_66 = vector.extract_strided_slice %get3A_65 {offsets = [0], sizes = [1], strides = [1]} : vector<16xi32> to vector<1xi32>
    %squeeze3A_67 = vector.extract %slice3A_66[0] : i32 from vector<1xi32>
    %min3A = arith.constant 2046 : i32
    %min3A_68 = arith.minsi %squeeze3A_67, %min3A : i32
    %sub3A_69 = arith.constant 4092 : i32
    %sub3A_70 = arith.subi %sub3A_69, %min3A_68 : i32
    %min3A_71 = arith.minsi %squeeze3A, %sub3A_70 : i32
    %max3A = arith.constant 0 : i32
    %max3A_72 = arith.maxsi %min3A_71, %max3A : i32
    %sub3A_73 = arith.constant 4092 : i32
    %sub3A_74 = arith.subi %sub3A_73, %max3A_72 : i32
    %min3A_75 = arith.minsi %squeeze3A_67, %sub3A_74 : i32
    %max3A_76 = arith.constant 0 : i32
    %max3A_77 = arith.maxsi %min3A_75, %max3A_76 : i32
    %add3A_78 = arith.constant 1 : i32
    %add3A_79 = arith.addi %add3A_78, %max3A_72 : i32
    %jit3A_80 = arith.constant 16 : i32
    %div3A_81 = arith.divsi %add3A_79, %jit3A_80 : i32
    %sign3A_82 = arith.constant 0 : i32
    %sign3A_83 = arith.cmpi sgt, %add3A_79, %sign3A_82 : i32
    %sign3A_84 = arith.extui %sign3A_83 : i1 to i32
    %sign3A_85 = arith.constant 0 : i32
    %sign3A_86 = arith.cmpi slt, %add3A_79, %sign3A_85 : i32
    %sign3A_87 = arith.extui %sign3A_86 : i1 to i32
    %sign3A_88 = arith.subi %sign3A_84, %sign3A_87 : i32
    %sign3A_89 = arith.constant 0 : i32
    %sign3A_90 = arith.cmpi sgt, %jit3A_80, %sign3A_89 : i32
    %sign3A_91 = arith.extui %sign3A_90 : i1 to i32
    %sign3A_92 = arith.constant 0 : i32
    %sign3A_93 = arith.cmpi slt, %jit3A_80, %sign3A_92 : i32
    %sign3A_94 = arith.extui %sign3A_93 : i1 to i32
    %sign3A_95 = arith.subi %sign3A_91, %sign3A_94 : i32
    %ne3A_96 = arith.cmpi ne, %sign3A_88, %sign3A_95 : i32
    %rem3A_97 = arith.remsi %add3A_79, %jit3A_80 : i32
    %ne3A_98 = arith.constant 0 : i32
    %ne3A_99 = arith.cmpi ne, %rem3A_97, %ne3A_98 : i32
    %and3A_100 = arith.andi %ne3A_96, %ne3A_99 : i1
    %sub3A_101 = arith.constant 1 : i32
    %sub3A_102 = arith.subi %div3A_81, %sub3A_101 : i32
    %select_n3A_103 = arith.select %and3A_100, %sub3A_102, %div3A_81 : i32
    %add3A_104 = arith.constant 3 : i32
    %add3A_105 = arith.addi %add3A_104, %max3A_72 : i32
    %jit3A_106 = arith.constant 16 : i32
    %div3A_107 = arith.divsi %add3A_105, %jit3A_106 : i32
    %sign3A_108 = arith.constant 0 : i32
    %sign3A_109 = arith.cmpi sgt, %add3A_105, %sign3A_108 : i32
    %sign3A_110 = arith.extui %sign3A_109 : i1 to i32
    %sign3A_111 = arith.constant 0 : i32
    %sign3A_112 = arith.cmpi slt, %add3A_105, %sign3A_111 : i32
    %sign3A_113 = arith.extui %sign3A_112 : i1 to i32
    %sign3A_114 = arith.subi %sign3A_110, %sign3A_113 : i32
    %sign3A_115 = arith.constant 0 : i32
    %sign3A_116 = arith.cmpi sgt, %jit3A_106, %sign3A_115 : i32
    %sign3A_117 = arith.extui %sign3A_116 : i1 to i32
    %sign3A_118 = arith.constant 0 : i32
    %sign3A_119 = arith.cmpi slt, %jit3A_106, %sign3A_118 : i32
    %sign3A_120 = arith.extui %sign3A_119 : i1 to i32
    %sign3A_121 = arith.subi %sign3A_117, %sign3A_120 : i32
    %ne3A_122 = arith.cmpi ne, %sign3A_114, %sign3A_121 : i32
    %rem3A_123 = arith.remsi %add3A_105, %jit3A_106 : i32
    %ne3A_124 = arith.constant 0 : i32
    %ne3A_125 = arith.cmpi ne, %rem3A_123, %ne3A_124 : i32
    %and3A_126 = arith.andi %ne3A_122, %ne3A_125 : i1
    %sub3A_127 = arith.constant 1 : i32
    %sub3A_128 = arith.subi %div3A_107, %sub3A_127 : i32
    %select_n3A_129 = arith.select %and3A_126, %sub3A_128, %div3A_107 : i32
    %add3A_130 = arith.constant 3 : i32
    %add3A_131 = arith.addi %add3A_130, %max3A_72 : i32
    %add3A_132 = arith.addi %add3A_131, %max3A_77 : i32
    %jit3A_133 = arith.constant 16 : i32
    %div3A_134 = arith.divsi %add3A_132, %jit3A_133 : i32
    %sign3A_135 = arith.constant 0 : i32
    %sign3A_136 = arith.cmpi sgt, %add3A_132, %sign3A_135 : i32
    %sign3A_137 = arith.extui %sign3A_136 : i1 to i32
    %sign3A_138 = arith.constant 0 : i32
    %sign3A_139 = arith.cmpi slt, %add3A_132, %sign3A_138 : i32
    %sign3A_140 = arith.extui %sign3A_139 : i1 to i32
    %sign3A_141 = arith.subi %sign3A_137, %sign3A_140 : i32
    %sign3A_142 = arith.constant 0 : i32
    %sign3A_143 = arith.cmpi sgt, %jit3A_133, %sign3A_142 : i32
    %sign3A_144 = arith.extui %sign3A_143 : i1 to i32
    %sign3A_145 = arith.constant 0 : i32
    %sign3A_146 = arith.cmpi slt, %jit3A_133, %sign3A_145 : i32
    %sign3A_147 = arith.extui %sign3A_146 : i1 to i32
    %sign3A_148 = arith.subi %sign3A_144, %sign3A_147 : i32
    %ne3A_149 = arith.cmpi ne, %sign3A_141, %sign3A_148 : i32
    %rem3A_150 = arith.remsi %add3A_132, %jit3A_133 : i32
    %ne3A_151 = arith.constant 0 : i32
    %ne3A_152 = arith.cmpi ne, %rem3A_150, %ne3A_151 : i32
    %and3A_153 = arith.andi %ne3A_149, %ne3A_152 : i1
    %sub3A_154 = arith.constant 1 : i32
    %sub3A_155 = arith.subi %div3A_134, %sub3A_154 : i32
    %select_n3A_156 = arith.select %and3A_153, %sub3A_155, %div3A_134 : i32
    %iota3A = tpu.iota {dimensions = array<i32: 0>} : vector<16xi32>
    %broadcast_in_dim3A = arith.constant 1 : i32
    %broadcast_in_dim3A_157 = vector.broadcast %broadcast_in_dim3A : i32 to vector<16xi32>
    %broadcast_in_dim3A_158 = arith.constant 2 : i32
    %broadcast_in_dim3A_159 = vector.broadcast %broadcast_in_dim3A_158 : i32 to vector<16xi32>
    %broadcast_in_dim3A_160 = arith.constant 0 : i32
    %broadcast_in_dim3A_161 = vector.broadcast %broadcast_in_dim3A_160 : i32 to vector<16xi32>
    %dma_wait3A = arith.constant 0 : i32
    %dma_wait3A_162 = tpu.memref_slice %arg2[%select_n3A, %dma_wait3A] : memref<16x4096xi32, #tpu.memory_space<hbm>> -> memref<1x4096xi32, #tpu.memory_space<hbm>>
    %dma_wait3A_163 = tpu.memref_squeeze %dma_wait3A_162 : memref<1x4096xi32, #tpu.memory_space<hbm>> -> memref<4096xi32, #tpu.memory_space<hbm>>
    %dma_wait3A_164 = arith.constant 0 : i32
    %dma_wait3A_165 = tpu.memref_slice %arg2[%select_n3A, %dma_wait3A_164] : memref<16x4096xi32, #tpu.memory_space<hbm>> -> memref<1x4096xi32, #tpu.memory_space<hbm>>
    %dma_wait3A_166 = tpu.memref_squeeze %dma_wait3A_165 : memref<1x4096xi32, #tpu.memory_space<hbm>> -> memref<4096xi32, #tpu.memory_space<hbm>>
    tpu.wait_dma2 semaphore(%arg14 : memref<!tpu.dma_semaphore, #tpu.memory_space<semaphore_mem>>) src(%dma_wait3A_166 : memref<4096xi32, #tpu.memory_space<hbm>>) dst(%arg7 : memref<4096xi32, #tpu.memory_space<vmem>>)
    %dma_wait3A_167 = arith.constant 0 : i32
    %dma_wait3A_168 = tpu.memref_slice %arg4[%select_n3A, %dma_wait3A_167] : memref<16x4096xi32, #tpu.memory_space<hbm>> -> memref<1x4096xi32, #tpu.memory_space<hbm>>
    %dma_wait3A_169 = tpu.memref_squeeze %dma_wait3A_168 : memref<1x4096xi32, #tpu.memory_space<hbm>> -> memref<4096xi32, #tpu.memory_space<hbm>>
    %dma_wait3A_170 = arith.constant 0 : i32
    %dma_wait3A_171 = tpu.memref_slice %arg4[%select_n3A, %dma_wait3A_170] : memref<16x4096xi32, #tpu.memory_space<hbm>> -> memref<1x4096xi32, #tpu.memory_space<hbm>>
    %dma_wait3A_172 = tpu.memref_squeeze %dma_wait3A_171 : memref<1x4096xi32, #tpu.memory_space<hbm>> -> memref<4096xi32, #tpu.memory_space<hbm>>
    tpu.wait_dma2 semaphore(%arg15 : memref<!tpu.dma_semaphore, #tpu.memory_space<semaphore_mem>>) src(%dma_wait3A_172 : memref<4096xi32, #tpu.memory_space<hbm>>) dst(%arg8 : memref<4096xi32, #tpu.memory_space<vmem>>)
    %max3A_173 = arith.constant 1 : i32
    %max3A_174 = arith.maxsi %mul3A_34, %max3A_173 : i32
    %min3A_175 = arith.minsi %add3A_36, %select_n3A_103 : i32
    %max3A_176 = arith.maxsi %min3A_175, %max3A_174 : i32
    %parallel_loop3A = arith.constant 1 : i32
    scf.for %parallel_loop3A_195 = %max3A_174 to %max3A_176 step %parallel_loop3A  : i32 {
      %parallel_loop3A_196 = arith.constant 16 : i32
      %parallel_loop3A_197 = arith.muli %parallel_loop3A_195, %parallel_loop3A_196 : i32
      %parallel_loop3A_198 = arith.constant 1 : i32
      %parallel_loop3A_199 = arith.subi %parallel_loop3A_197, %parallel_loop3A_198 : i32
      %parallel_loop3A_200 = arith.index_cast %parallel_loop3A_199 : i32 to index
      %parallel_loop3A_201 = tpu.vector_load %arg7[%parallel_loop3A_200] {strides = array<i32>} : memref<4096xi32, #tpu.memory_space<vmem>>, vector<16xi32>,
      %parallel_loop3A_202 = vector.shape_cast %parallel_loop3A_201 : vector<16xi32> to vector<16xi32>
      %parallel_loop3A_203 = arith.constant 16 : i32
      %parallel_loop3A_204 = arith.muli %parallel_loop3A_195, %parallel_loop3A_203 : i32
      %parallel_loop3A_205 = arith.subi %parallel_loop3A_204, %mul3A_32 : i32
      %parallel_loop3A_206 = arith.index_cast %parallel_loop3A_205 : i32 to index
      %parallel_loop3A_207 = tpu.vector_load %arg9[%parallel_loop3A_206] {strides = array<i32>} : memref<2048xi32, #tpu.memory_space<vmem>>, vector<16xi32>,
      %parallel_loop3A_208 = vector.shape_cast %parallel_loop3A_207 : vector<16xi32> to vector<16xi32>
      %parallel_loop3A_209 = vector.shape_cast %parallel_loop3A_202 : vector<16xi32> to vector<16xi32>
      tpu.vector_store %arg9[%parallel_loop3A_206], %parallel_loop3A_209 {strides = array<i32>} : memref<2048xi32, #tpu.memory_space<vmem>>, vector<16xi32>,
    } {sc.loop_unroll_factor = 4 : i64, sc.parallel_access}
    %add3A_177 = arith.constant 1 : i32
    %add3A_178 = arith.addi %select_n3A_129, %add3A_177 : i32
    %max3A_179 = arith.maxsi %mul3A_34, %add3A_178 : i32
    %min3A_180 = arith.minsi %add3A_36, %select_n3A_156 : i32
    %max3A_181 = arith.maxsi %min3A_180, %max3A_179 : i32
    %add3A_182 = arith.constant 3 : i32
    %add3A_183 = arith.addi %add3A_182, %max3A_72 : i32
    %parallel_loop3A_184 = arith.constant 1 : i32
    scf.for %parallel_loop3A_195 = %max3A_179 to %max3A_181 step %parallel_loop3A_184  : i32 {
      %parallel_loop3A_196 = arith.constant 16 : i32
      %parallel_loop3A_197 = arith.muli %parallel_loop3A_195, %parallel_loop3A_196 : i32
      %parallel_loop3A_198 = arith.subi %parallel_loop3A_197, %add3A_183 : i32
      %parallel_loop3A_199 = arith.index_cast %parallel_loop3A_198 : i32 to index
      %parallel_loop3A_200 = tpu.vector_load %arg8[%parallel_loop3A_199] {strides = array<i32>} : memref<4096xi32, #tpu.memory_space<vmem>>, vector<16xi32>,
      %parallel_loop3A_201 = vector.shape_cast %parallel_loop3A_200 : vector<16xi32> to vector<16xi32>
      %parallel_loop3A_202 = arith.constant 16 : i32
      %parallel_loop3A_203 = arith.muli %parallel_loop3A_195, %parallel_loop3A_202 : i32
      %parallel_loop3A_204 = arith.subi %parallel_loop3A_203, %mul3A_32 : i32
      %parallel_loop3A_205 = arith.index_cast %parallel_loop3A_204 : i32 to index
      %parallel_loop3A_206 = tpu.vector_load %arg9[%parallel_loop3A_205] {strides = array<i32>} : memref<2048xi32, #tpu.memory_space<vmem>>, vector<16xi32>,
      %parallel_loop3A_207 = vector.shape_cast %parallel_loop3A_206 : vector<16xi32> to vector<16xi32>
      %parallel_loop3A_208 = vector.shape_cast %parallel_loop3A_201 : vector<16xi32> to vector<16xi32>
      tpu.vector_store %arg9[%parallel_loop3A_205], %parallel_loop3A_208 {strides = array<i32>} : memref<2048xi32, #tpu.memory_space<vmem>>, vector<16xi32>,
    } {sc.loop_unroll_factor = 4 : i64, sc.parallel_access}
    %add3A_185 = arith.constant 1 : i32
    %add3A_186 = arith.addi %select_n3A_156, %add3A_185 : i32
    %max3A_187 = arith.maxsi %mul3A_34, %add3A_186 : i32
    %max3A_188 = arith.maxsi %add3A_36, %max3A_187 : i32
    %parallel_loop3A_189 = arith.constant 1 : i32
    scf.for %parallel_loop3A_195 = %max3A_187 to %max3A_188 step %parallel_loop3A_189  : i32 {
      %parallel_loop3A_196 = arith.constant 16 : i32
      %parallel_loop3A_197 = arith.muli %parallel_loop3A_195, %parallel_loop3A_196 : i32
      %parallel_loop3A_198 = arith.subi %parallel_loop3A_197, %mul3A_32 : i32
      %parallel_loop3A_199 = arith.index_cast %parallel_loop3A_198 : i32 to index
      %parallel_loop3A_200 = tpu.vector_load %arg9[%parallel_loop3A_199] {strides = array<i32>} : memref<2048xi32, #tpu.memory_space<vmem>>, vector<16xi32>,
      %parallel_loop3A_201 = vector.shape_cast %parallel_loop3A_200 : vector<16xi32> to vector<16xi32>
      %parallel_loop3A_202 = vector.shape_cast %broadcast_in_dim3A_157 : vector<16xi32> to vector<16xi32>
      tpu.vector_store %arg9[%parallel_loop3A_199], %parallel_loop3A_202 {strides = array<i32>} : memref<2048xi32, #tpu.memory_space<vmem>>, vector<16xi32>,
    } {sc.loop_unroll_factor = 4 : i64, sc.parallel_access}
    %scan3A = arith.constant 0 : i32
    %scan3A_190 = arith.constant 0 : i32
    %scan3A_191 = arith.constant 4 : i32
    %scan3A_192 = arith.addi %scan3A_190, %scan3A_191 : i32
    %scan3A_193 = arith.constant 1 : i32
    scf.for %scan3A_195 = %scan3A_190 to %scan3A_192 step %scan3A_193  : i32 {
      %eq3A_196 = arith.constant 0 : i32
      %eq3A_197 = arith.cmpi eq, %scan3A_195, %eq3A_196 : i32
      %eq3A_198 = arith.constant 1 : i32
      %eq3A_199 = arith.cmpi eq, %scan3A_195, %eq3A_198 : i32
      %eq3A_200 = arith.constant 2 : i32
      %eq3A_201 = arith.cmpi eq, %scan3A_195, %eq3A_200 : i32
      %select_n3A_202 = arith.select %eq3A_201, %select_n3A_129, %select_n3A_156 : i32
      %select_n3A_203 = arith.select %eq3A_199, %select_n3A_103, %select_n3A_202 : i32
      %jit3A_204 = arith.constant 0 : i32
      %select_n3A_205 = arith.select %eq3A_197, %jit3A_204, %select_n3A_203 : i32
      %ge3A = arith.cmpi sge, %select_n3A_205, %mul3A_34 : i32
      %lt3A_206 = arith.cmpi slt, %select_n3A_205, %add3A_36 : i32
      %and3A_207 = arith.andi %ge3A, %lt3A_206 : i1
      %convert_element_type3A = arith.extui %and3A_207 : i1 to i32
      %cond3A = arith.constant 0 : i32
      %cond3A_208 = arith.cmpi ne, %convert_element_type3A, %cond3A : i32
      scf.if %cond3A_208 {
        %mul3A_209 = arith.constant 16 : i32
        %mul3A_210 = arith.muli %select_n3A_205, %mul3A_209 : i32
        %add3A_211 = vector.broadcast %mul3A_210 : i32 to vector<16xi32>
        %add3A_212 = arith.addi %iota3A, %add3A_211 : vector<16xi32>
        %sub3A_213 = arith.constant 1 : i32
        %sub3A_214 = arith.subi %mul3A_210, %sub3A_213 : i32
        %jit3A_215 = arith.constant 0 : i32
        %jit3A_216 = arith.constant 4080 : i32
        %max3A_217 = arith.maxsi %jit3A_215, %sub3A_214 : i32
        %min3A_218 = arith.minsi %jit3A_216, %max3A_217 : i32
        %get3A_219 = arith.index_cast %min3A_218 : i32 to index
        %get3A_220 = tpu.vector_load %arg7[%get3A_219] {strides = array<i32>} : memref<4096xi32, #tpu.memory_space<vmem>>, vector<16xi32>,
        %get3A_221 = vector.shape_cast %get3A_220 : vector<16xi32> to vector<16xi32>
        %swap3A_222 = arith.constant 16 : index
        %swap3A_223 = tpu.vector_load %arg12[%swap3A_222] {strides = array<i32>} : memref<48xi32, #tpu.memory_space<vmem>>, vector<16xi32>,
        %swap3A_224 = vector.shape_cast %swap3A_223 : vector<16xi32> to vector<16xi32>
        %swap3A_225 = vector.shape_cast %get3A_221 : vector<16xi32> to vector<16xi32>
        tpu.vector_store %arg12[%swap3A_222], %swap3A_225 {strides = array<i32>} : memref<48xi32, #tpu.memory_space<vmem>>, vector<16xi32>,
        %sub3A_226 = arith.subi %sub3A_214, %min3A_218 : i32
        %jit3A_227 = arith.constant -16 : i32
        %jit3A_228 = arith.constant 16 : i32
        %max3A_229 = arith.maxsi %jit3A_227, %sub3A_226 : i32
        %min3A_230 = arith.minsi %jit3A_228, %max3A_229 : i32
        %add3A_231 = arith.constant 16 : i32
        %add3A_232 = arith.addi %add3A_231, %min3A_230 : i32
        %get3A_233 = arith.index_cast %add3A_232 : i32 to index
        %get3A_234 = tpu.vector_load %arg12[%get3A_233] {strides = array<i32>} : memref<48xi32, #tpu.memory_space<vmem>>, vector<16xi32>,
        %get3A_235 = vector.shape_cast %get3A_234 : vector<16xi32> to vector<16xi32>
        %sub3A_236 = arith.constant 3 : i32
        %sub3A_237 = arith.subi %mul3A_210, %sub3A_236 : i32
        %sub3A_238 = arith.subi %sub3A_237, %max3A_72 : i32
        %jit3A_239 = arith.constant 0 : i32
        %jit3A_240 = arith.constant 4080 : i32
        %max3A_241 = arith.maxsi %jit3A_239, %sub3A_238 : i32
        %min3A_242 = arith.minsi %jit3A_240, %max3A_241 : i32
        %get3A_243 = arith.index_cast %min3A_242 : i32 to index
        %get3A_244 = tpu.vector_load %arg8[%get3A_243] {strides = array<i32>} : memref<4096xi32, #tpu.memory_space<vmem>>, vector<16xi32>,
        %get3A_245 = vector.shape_cast %get3A_244 : vector<16xi32> to vector<16xi32>
        %swap3A_246 = arith.constant 16 : index
        %swap3A_247 = tpu.vector_load %arg13[%swap3A_246] {strides = array<i32>} : memref<48xi32, #tpu.memory_space<vmem>>, vector<16xi32>,
        %swap3A_248 = vector.shape_cast %swap3A_247 : vector<16xi32> to vector<16xi32>
        %swap3A_249 = vector.shape_cast %get3A_245 : vector<16xi32> to vector<16xi32>
        tpu.vector_store %arg13[%swap3A_246], %swap3A_249 {strides = array<i32>} : memref<48xi32, #tpu.memory_space<vmem>>, vector<16xi32>,
        %sub3A_250 = arith.subi %sub3A_238, %min3A_242 : i32
        %jit3A_251 = arith.constant -16 : i32
        %jit3A_252 = arith.constant 16 : i32
        %max3A_253 = arith.maxsi %jit3A_251, %sub3A_250 : i32
        %min3A_254 = arith.minsi %jit3A_252, %max3A_253 : i32
        %add3A_255 = arith.constant 16 : i32
        %add3A_256 = arith.addi %add3A_255, %min3A_254 : i32
        %get3A_257 = arith.index_cast %add3A_256 : i32 to index
        %get3A_258 = tpu.vector_load %arg13[%get3A_257] {strides = array<i32>} : memref<48xi32, #tpu.memory_space<vmem>>, vector<16xi32>,
        %get3A_259 = vector.shape_cast %get3A_258 : vector<16xi32> to vector<16xi32>
        %add3A_260 = arith.constant 3 : i32
        %add3A_261 = arith.addi %add3A_260, %max3A_72 : i32
        %ge3A_262 = vector.broadcast %add3A_261 : i32 to vector<16xi32>
        %ge3A_263 = arith.cmpi sge, %add3A_212, %ge3A_262 : vector<16xi32>
        %add3A_264 = arith.constant 3 : i32
        %add3A_265 = arith.addi %add3A_264, %max3A_72 : i32
        %add3A_266 = arith.addi %add3A_265, %max3A_77 : i32
        %lt3A_267 = vector.broadcast %add3A_266 : i32 to vector<16xi32>
        %lt3A_268 = arith.cmpi slt, %add3A_212, %lt3A_267 : vector<16xi32>
        %and3A_269 = arith.andi %ge3A_263, %lt3A_268 : vector<16xi1>
        %select_n3A_270 = arith.select %and3A_269, %get3A_259, %broadcast_in_dim3A_157 : vector<16xi1>, vector<16xi32>
        %ge3A_271 = arith.constant 1 : i32
        %ge3A_272 = vector.broadcast %ge3A_271 : i32 to vector<16xi32>
        %ge3A_273 = arith.cmpi sge, %add3A_212, %ge3A_272 : vector<16xi32>
        %add3A_274 = arith.constant 1 : i32
        %add3A_275 = arith.addi %add3A_274, %max3A_72 : i32
        %lt3A_276 = vector.broadcast %add3A_275 : i32 to vector<16xi32>
        %lt3A_277 = arith.cmpi slt, %add3A_212, %lt3A_276 : vector<16xi32>
        %and3A_278 = arith.andi %ge3A_273, %lt3A_277 : vector<16xi1>
        %select_n3A_279 = arith.select %and3A_278, %get3A_235, %select_n3A_270 : vector<16xi1>, vector<16xi32>
        %add3A_280 = arith.constant 1 : i32
        %add3A_281 = arith.addi %add3A_280, %max3A_72 : i32
        %eq3A_282 = vector.broadcast %add3A_281 : i32 to vector<16xi32>
        %eq3A_283 = arith.cmpi eq, %add3A_212, %eq3A_282 : vector<16xi32>
        %add3A_284 = arith.constant 2 : i32
        %add3A_285 = arith.addi %add3A_284, %max3A_72 : i32
        %eq3A_286 = vector.broadcast %add3A_285 : i32 to vector<16xi32>
        %eq3A_287 = arith.cmpi eq, %add3A_212, %eq3A_286 : vector<16xi32>
        %or3A = arith.ori %eq3A_283, %eq3A_287 : vector<16xi1>
        %add3A_288 = arith.constant 3 : i32
        %add3A_289 = arith.addi %add3A_288, %max3A_72 : i32
        %add3A_290 = arith.addi %add3A_289, %max3A_77 : i32
        %eq3A_291 = vector.broadcast %add3A_290 : i32 to vector<16xi32>
        %eq3A_292 = arith.cmpi eq, %add3A_212, %eq3A_291 : vector<16xi32>
        %or3A_293 = arith.ori %or3A, %eq3A_292 : vector<16xi1>
        %select_n3A_294 = arith.select %or3A_293, %broadcast_in_dim3A_159, %select_n3A_279 : vector<16xi1>, vector<16xi32>
        %eq3A_295 = arith.constant 0 : i32
        %eq3A_296 = vector.broadcast %eq3A_295 : i32 to vector<16xi32>
        %eq3A_297 = arith.cmpi eq, %add3A_212, %eq3A_296 : vector<16xi32>
        %select_n3A_298 = arith.select %eq3A_297, %broadcast_in_dim3A_161, %select_n3A_294 : vector<16xi1>, vector<16xi32>
        %sub3A_299 = arith.subi %mul3A_210, %mul3A_32 : i32
        %swap3A_300 = arith.index_cast %sub3A_299 : i32 to index
        %swap3A_301 = tpu.vector_load %arg9[%swap3A_300] {strides = array<i32>} : memref<2048xi32, #tpu.memory_space<vmem>>, vector<16xi32>,
        %swap3A_302 = vector.shape_cast %swap3A_301 : vector<16xi32> to vector<16xi32>
        %swap3A_303 = vector.shape_cast %select_n3A_298 : vector<16xi32> to vector<16xi32>
        tpu.vector_store %arg9[%swap3A_300], %swap3A_303 {strides = array<i32>} : memref<2048xi32, #tpu.memory_space<vmem>>, vector<16xi32>,
      } else {
      }
    }
    %scan3A_194 = arith.constant 4 : i32
    "tpu.region"() ({
      %run_scoped3A = tpu.sem_alloc : memref<!tpu.dma_semaphore, #tpu.memory_space<semaphore_mem>>
      %dma_start3A_195 = tpu.memref_slice %arg6[%select_n3A, %mul3A_32] : memref<16x4096xi32, #tpu.memory_space<hbm>> -> memref<1x2048xi32, #tpu.memory_space<hbm>>
      %dma_start3A_196 = tpu.memref_squeeze %dma_start3A_195 : memref<1x2048xi32, #tpu.memory_space<hbm>> -> memref<2048xi32, #tpu.memory_space<hbm>>
      %dma_start3A_197 = tpu.memref_slice %arg6[%select_n3A, %mul3A_32] : memref<16x4096xi32, #tpu.memory_space<hbm>> -> memref<1x2048xi32, #tpu.memory_space<hbm>>
      %dma_start3A_198 = tpu.memref_squeeze %dma_start3A_197 : memref<1x2048xi32, #tpu.memory_space<hbm>> -> memref<2048xi32, #tpu.memory_space<hbm>>
      tpu.enqueue_dma source(%arg9 : memref<2048xi32, #tpu.memory_space<vmem>>) target(%dma_start3A_198 : memref<2048xi32, #tpu.memory_space<hbm>>) target_semaphore(%run_scoped3A : memref<!tpu.dma_semaphore, #tpu.memory_space<semaphore_mem>>)
      %dma_wait3A_199 = tpu.memref_slice %arg6[%select_n3A, %mul3A_32] : memref<16x4096xi32, #tpu.memory_space<hbm>> -> memref<1x2048xi32, #tpu.memory_space<hbm>>
      %dma_wait3A_200 = tpu.memref_squeeze %dma_wait3A_199 : memref<1x2048xi32, #tpu.memory_space<hbm>> -> memref<2048xi32, #tpu.memory_space<hbm>>
      %dma_wait3A_201 = tpu.memref_slice %arg6[%select_n3A, %mul3A_32] : memref<16x4096xi32, #tpu.memory_space<hbm>> -> memref<1x2048xi32, #tpu.memory_space<hbm>>
      %dma_wait3A_202 = tpu.memref_squeeze %dma_wait3A_201 : memref<1x2048xi32, #tpu.memory_space<hbm>> -> memref<2048xi32, #tpu.memory_space<hbm>>
      tpu.wait_dma2 semaphore(%run_scoped3A : memref<!tpu.dma_semaphore, #tpu.memory_space<semaphore_mem>>) src(%arg9 : memref<2048xi32, #tpu.memory_space<vmem>>) dst(%dma_wait3A_202 : memref<2048xi32, #tpu.memory_space<hbm>>)
      tpu.yield
    }) : () -> ()
    return
  }
}

</mosaic_0001>

<sc_bundles>
// kernel: kernel.3.cloned.1.call-start
scs
__scs_entry_jumppad:
0x0: {  	(pc) =	sbr.rel $0x88, $3  }
0x1: {  	(tag) =	ssettag $0x0;
	lr =	simm.s32 $0x1  }
0x2: {  	[smem:$0x3F9D] =	sst lr;
	_ =	strace $0xD0000000  }
0x3: {  	_ = 	snop  }
0x4: {  	_ = 	snop  }
0x5: {  	_ = 	snop  }
0x6: {  	_ = 	snop  }
0x7: {  	_ = 	snop  }
__scs_overlays_trampoline_lowered:
0x8: {  	[smem:$0x3FAC] =	sst s0  }
0x9: {  	[smem:$0x3FAD] =	sst s1  }
0xa: {  	[smem:$0x3FAE] =	sst s2  }
0xb: {  	[smem:$0x3FAF] =	sst s3  }
0xc: {  	[smem:$0x3FB0] =	sst s4  }
0xd: {  	[smem:$0x3FB1] =	sst s5  }
0xe: {  	[smem:$0x3FB2] =	sst s6  }
0xf: {  	[smem:$0x3FB3] =	sst s7  }
0x10: {  	[smem:$0x3FB4] =	sst s8  }
0x11: {  	[smem:$0x3FB5] =	sst s9;
	s0 =	simm.s32 @!p0 $0x0  }
0x12: {  	s1 =	sld [smem:$0x3F9B];
	s0 =	simm.s32 @p0 $0x1  }
0x13: {  	[smem:$0x3FB6] =	sst s0;
	s0 =	simm.s32 @!p1 $0x0  }
0x14: {  	s2 =	sld [smem:$0x3F9A];
	s0 =	simm.s32 @p1 $0x1  }
0x15: {  	[smem:$0x3FB7] =	sst s0;
	s0 =	simm.s32 @!p2 $0x0  }
0x16: {  	s3 =	sld [smem:$0x3FDB];
	s0 =	simm.s32 @p2 $0x1  }
0x17: {  	s4 =	simm.s32 $0x1BF5;
	[smem:$0x3FB9] =	sst s0  }
0x18: {  	s0 =	sld [smem:$0x3F9C];
	_ =	swait.ge [sflag:s4], $0x0  }
0x19: {  	s7 =	sld [smem:$0x3F9D]  }
0x1a: {  	s8 =	sadd.s32 $0xFFFFE003, lr  }
0x1b: {  	s9 =	sadd.s32 $0xFFFFFEF7, lr;
	s5 =	simm.s32 $0xFFFFFFFF;
	p2 =	slt.u32 s8, $0xFFFFF086  }
0x1c: {  	p1 =	slt.u32 s9, $0xF7A;
	s5 =	simm.s32 @!p2 $0x0  }
0x1d: {  	s5 =	simm.s32 @p1 $0x1;
	p0 =	seq.s32 s7, s2  }
0x1e: {  	s7 =	smul.u32 @!p0 $0xF7A, s2;
	p2 =	seq.s32 @!p0 s5, $0x0  }
0x1f: {  	s9 =	smul.u32 $0xF7A, s1;
	s8 =	simm.s32 @!p0 $0x1BF5;
	p2 =	por !p2, p0  }
0x20: {  	[sflag:s8] =	ssyncset.s32 @!p0 $0xFFFFF086;
	s6 =	sadd.s32 @!p0 s3, s7;
	s7 =	simm.s32 @!p0 $0x108  }
0x21: {  	s3 =	sadd.s32 s3, s9;
	s6 =	sadd.s32 @!p0 $0x88, s6;
	s7 =	simm.s32 @p2 $0x1082  }
0x22: {  	[simem:s7], [sflag:s8] =	dma.local @!p0 [hbm:s6], $0xF7A  }
0x23: {  	s9 =	sor.u32 $0xD0000000, s2;
	s6 =	simm.s32 $0x108;
	_ =	swait.ge @!p0 [sflag:s8], $0x0  }
0x24: {  	s3 =	sadd.s32 $0x88, s3;
	s6 =	simm.s32 @!p1 $0x1082;
	[sflag:s4] =	ssyncset.s32 $0xFFFFF086  }
0x25: {  	[simem:s6], [sflag:s4] =	dma.local [hbm:s3], $0xF7A  }
0x26: {  	[smem:$0x3F9D] =	sst s1;
	(tag) =	ssettag s2;
	_ =	strace s9  }
0x27: {  	s1 =	sld [smem:$0x3FAD]  }
0x28: {  	s2 =	sld [smem:$0x3FAE]  }
0x29: {  	s4 =	sld [smem:$0x3FB0]  }
0x2a: {  	p0 =	seq.s32 s5, $0x0;
	s5 =	sld [smem:$0x3FB1]  }
0x2b: {  	s6 =	sld [smem:$0x3FB2]  }
0x2c: {  	s7 =	sld [smem:$0x3FB3]  }
0x2d: {  	s3 =	simm.s32 $0x108;
	s8 =	sld [smem:$0x3FB4]  }
0x2e: {  	s3 =	simm.s32 @!p0 $0x1082;
	s9 =	sld [smem:$0x3FB5]  }
0x2f: {  	lr =	sadd.s32 s0, s3;
	s0 =	sld [smem:$0x3FAC]  }
0x30: {  	s3 =	sld [smem:$0x3FAF]  }
0x31: {  	[smem:$0x3FB8] =	sst s10  }
0x32: {  	s10 =	sld [smem:$0x3FB6];
	_ =	sdelay $0x3  }
0x33: {  	p0 =	seq.s32 s10, $0x1;
	s10 =	sld [smem:$0x3FB8];
	_ =	sdelay $0x3  }
0x34: {  	[smem:$0x3FB8] =	sst s10  }
0x35: {  	s10 =	sld [smem:$0x3FB7];
	_ =	sdelay $0x3  }
0x36: {  	p1 =	seq.s32 s10, $0x1;
	s10 =	sld [smem:$0x3FB8];
	_ =	sdelay $0x3  }
0x37: {  	[smem:$0x3FB8] =	sst s10  }
0x38: {  	s10 =	sld [smem:$0x3FB9]  }
0x39: {  	_ = 	snop;
	(pc) =	sbr.ind lr, $3  }
0x3a: {  	_ = 	snop  }
0x3b: {  	_ = 	snop  }
0x3c: {  	p2 =	seq.s32 s10, $0x1;
	s10 =	sld [smem:$0x3FB8]  }
0x3d: {  	_ =	shalt  }
0x3e: {  	_ =	shalt  }
0x3f: {  	_ =	shalt  }
0x40: {  	_ =	shalt  }
0x41: {  	_ =	shalt  }
0x42: {  	_ =	shalt  }
0x43: {  	_ =	shalt  }
0x44: {  	_ =	shalt  }
0x45: {  	_ =	shalt  }
0x46: {  	_ =	shalt  }
0x47: {  	_ =	shalt  }
0x48: {  	_ =	shalt  }
0x49: {  	_ =	shalt  }
0x4a: {  	_ =	shalt  }
0x4b: {  	_ =	shalt  }
0x4c: {  	_ =	shalt  }
0x4d: {  	_ =	shalt  }
0x4e: {  	_ =	shalt  }
0x4f: {  	_ =	shalt  }
0x50: {  	_ =	shalt  }
0x51: {  	_ =	shalt  }
0x52: {  	_ =	shalt  }
0x53: {  	_ =	shalt  }
0x54: {  	_ =	shalt  }
0x55: {  	_ =	shalt  }
0x56: {  	_ =	shalt  }
0x57: {  	_ =	shalt  }
0x58: {  	_ =	shalt  }
0x59: {  	_ =	shalt  }
0x5a: {  	_ =	shalt  }
0x5b: {  	_ =	shalt  }
0x5c: {  	_ =	shalt  }
0x5d: {  	_ =	shalt  }
0x5e: {  	_ =	shalt  }
0x5f: {  	_ =	shalt  }
0x60: {  	_ =	shalt  }
0x61: {  	_ =	shalt  }
0x62: {  	_ =	shalt  }
0x63: {  	_ =	shalt  }
0x64: {  	_ =	shalt  }
0x65: {  	_ =	shalt  }
0x66: {  	_ =	shalt  }
0x67: {  	_ =	shalt  }
0x68: {  	_ =	shalt  }
0x69: {  	_ =	shalt  }
0x6a: {  	_ =	shalt  }
0x6b: {  	_ =	shalt  }
0x6c: {  	_ =	shalt  }
0x6d: {  	_ =	shalt  }
0x6e: {  	_ =	shalt  }
0x6f: {  	_ =	shalt  }
0x70: {  	_ =	shalt  }
0x71: {  	_ =	shalt  }
0x72: {  	_ =	shalt  }
0x73: {  	_ =	shalt  }
0x74: {  	_ =	shalt  }
0x75: {  	_ =	shalt  }
0x76: {  	_ =	shalt  }
0x77: {  	_ =	shalt  }
0x78: {  	_ =	shalt  }
0x79: {  	_ =	shalt  }
0x7a: {  	_ =	shalt  }
0x7b: {  	_ =	shalt  }
0x7c: {  	_ =	shalt  }
0x7d: {  	_ =	shalt  }
0x7e: {  	_ =	shalt  }
0x7f: {  	_ =	shalt  }
0x80: {  	_ =	shalt  }
0x81: {  	_ =	shalt  }
0x82: {  	_ =	shalt  }
0x83: {  	_ =	shalt  }
0x84: {  	_ =	shalt  }
0x85: {  	_ =	shalt  }
0x86: {  	_ =	shalt  }
0x87: {  	_ =	shalt  }
.Lfunc_end0:
.L_simem_size_0:
called_computation_lowered:
.L_overlay_start_0:
0x88: {  	s2 =	sld [smem:$0x3FD9]  }
0x89: {  	s3 =	sld [smem:$0x3FFE];
	_ =	sdelay $0x1  }
0x8a: {  	s1 =	srdreg.scid  }
0x8b: {  	s0 =	sand.u32 $0x1, s1  }
0x8c: {  	s18 =	sshll.u32 s0, $0xA;
	s2 =	sadd.s32 s3, s2  }
0x8d: {  	s2 =	sadd.s32 s2, s18  }
0x8e: {  	[smem:$0x3FC4] =	sst s2  }
0x8f: {  	_ = 	snop  }
0x90: {  	s2 =	sld [smem:$0x3FC9]  }
0x91: {  	s19 =	sld [smem:$0x3FC8]  }
0x92: {  	s4 =	sld [smem:$0x3FC7]  }
0x93: {  	s5 =	sld [smem:$0x3FC6]  }
0x94: {  	s6 =	sld [smem:$0x3FD0];
	(tm) =	ssettm $0x1  }
0x95: {  	s7 =	sld [smem:$0x3FFB];
	_ =	sdelay $0x3  }
0x96: {  	_ =	strace s7  }
0x97: {  	s7 =	sld [smem:$0x3FFC];
	_ =	sdelay $0x3  }
0x98: {  	_ =	strace s7  }
0x99: {  	s7 =	sld [smem:$0x3FFD];
	_ =	sdelay $0x3  }
0x9a: {  	_ =	strace s7  }
0x9b: {  	_ =	strace $0x8FFFFFFF  }
0x9c: {  	s20 =	sld [smem:$0x3FDB];
	_ =	sdelay $0x1  }
0x9d: {  	s8 =	simm.s32 $_scs_section_size  }
0x9e: {  	s9 =	simm.s32 $_size__tile_overlayer_lowered;
	s10 =	simm.s32 $_tile_overlayer_lowered  }
0x9f: {  	s23 =	simm.s32 $0x1BFF;
	s22 =	sshll.u32 s10, $0x1;
	s7 =	sadd.s32 s8, s20  }
0xa0: {  	s11 =	simm.s32 $0x0;
	s21 =	sshll.u32 s9, $0x1;
	s9 =	sadd.s32 s22, s7  }
0xa1: {  	[timem:s11], [sflag:s23] =	dma.local [hbm:s9], s21  }
0xa2: {  	_ =	swait.ge [sflag:s23], s21  }
0xa3: {  	s8 =	ssub.s32 $0x0, s21;
	[sflag:s23] =	ssyncset.done $0x0  }
0xa4: {  	[sflag:s23] =	ssyncadd.s32 s8;
	_ =	sdelay $0x1  }
0xa5: {  	s24 =	simm.s32 $0x1B8B  }
0xa6: {  	_ =	swait.ge [sflag:s24], $0x1  }
0xa7: {  	[sflag:s24] =	ssyncset.done $0x0  }
0xa8: {  	s25 =	simm.s32 $0x1B8E;
	[sflag:s24] =	ssyncadd.s32 $0xFFFFFFFF  }
0xa9: {  	s26 =	simm.s32 $execute0_lowered;
	[smem:$0x3FD2] =	sst s25  }
0xaa: {  	s8 =	sshll.u32 s26, $0x1;
	_ =	strace $0x80000046;
	[dreg:$0x1] =	wrdreg $0xFFFFFFFF  }
0xab: {  	s28 =	simm.s32 $_size_execute0_lowered;
	s7 =	sadd.s32 s7, s8;
	[dreg:$0x0] =	wrdreg $0x0  }
0xac: {  	s8 =	sshll.u32 s28, $0x1;
	[dreg:$0x2] =	wrdreg s7  }
0xad: {  	[dreg:$0x3] =	wrdreg s8  }
0xae: {  	[dreg:$0x4] =	wrdreg $0xC0  }
0xaf: {  	_ =	task [dreg:s11], $0x5FFFF  }
0xb0: {  	[dreg:$0x1] =	wrdreg $0xFFFFFFFF  }
0xb1: {  	[dreg:$0x0] =	wrdreg $0x60  }
0xb2: {  	[dreg:$0x2] =	wrdreg s2  }
0xb3: {  	[dreg:$0x3] =	wrdreg s19  }
0xb4: {  	[dreg:$0x4] =	wrdreg s4  }
0xb5: {  	[dreg:$0x5] =	wrdreg s5  }
0xb6: {  	[dreg:$0x6] =	wrdreg s6  }
0xb7: {  	[dreg:$0x7] =	wrdreg $0x9  }
0xb8: {  	_ =	task.clear_ibuf [dreg:s11], $0x8FFFF;
	_ =	strace $0x90000046  }
0xb9: {  	s29 =	simm.s32 $0x9;
	_ =	strace $0x80000048  }
0xba: {  	_ =	swait.ge [sflag:s29], $0x1  }
0xbb: {  	[sflag:s29] =	ssyncadd.s32 $0xFFFFFFFF  }
0xbc: {  	_ =	strace $0x90000048  }
0xbd: {  	_ =	sfence  }
0xbe: {  	s30 =	sld [smem:$0x0];
	_ =	sdelay $0x2  }
0xbf: {  	s31 =	sshll.u32 s1, $0xD;
	s1 =	sshrl.u32 s1, $0x2  }
0xc0: {  	s3 =	sand.u32 $0x4000, s31;
	s1 =	sadd.s32 s1, s30  }
0xc1: {  	s0 =	sor.u32 s3, s0;
	s1 =	sshll.u32 s1, $0x11  }
0xc2: {  	s0 =	sor.u32 s1, s0  }
0xc3: {  	s0 =	sadd.s32 $0x8F2B, s0  }
0xc4: {  	[sflag:s0] =	ssyncadd.remote.s32 $0x1  }
0xc5: {  	_ =	sfence.sel $0xFFFF  }
0xc6: {  	[dreg:$0x0] =	wrdreg $0xFFFFFFFF;
	(pc) =	sbr.abs _section_cstart, $3  }
0xc7: {  	[dreg:$0x1] =	wrdreg $0xFFFFFFFF  }
0xc8: {  	_ =	task.clear_ibuf [dreg:s11], $0x2FFFF;
	_ =	strace $0x9FFFFFFF  }
0xc9: {  	(tm) =	ssettm $0x7FFFFFFF  }
tec
execute0_lowered:
.L_overlay_start_1:
0x0: {  	(tag) =	ssettag $0x1  }
0x1: {  	s1 =	srdreg.scid  }
0x2: {  	s5 =	stileid.u32;
	s1 =	sand.u32 $0x1, s1  }
0x3: {  	s0 =	rddreg [dreg:$0x0];
	s3 =	sor.u32 s1, s5  }
0x4: {  	s2 =	rddreg [dreg:$0x2];
	p1 =	seq.s32 s1, $0x1;
	p0 =	seq.s32 s3, $0x0  }
0x5: {  	s4 =	rddreg [dreg:$0x4];
	p0 =	por !p0, !p1  }
0x6: {  	s6 =	simm.s32 $0x0;
	s3 =	simm.s32 $0x1;
	p0 =	por !p0, !p0  }
0x7: {  	s28 =	simm.s32 $0x0;
	s21 =	ssub.s32 $0x2, s1;
	s3 =	simm.s32 @!p0 $0x0  }
0x8: {  	[smem:$0x7FF] =	sst s6;
	s22 =	sshrl.u32 s21, $0x1;
	s5 =	ssub.s32 s5, s3  }
0x9: {  	_ =	strace $0x80000047;
	s3 =	ssub.s32 s21, s22;
	s7 =	sshll.u32 s5, $0xC  }
0xa: {  	[dreg:$0x6] =	wrdreg s5;
	s8 =	sshll.u32 s5, $0x7;
	s30 =	smax.u32 s3, $0x1  }
0xb: {  	s23 =	sand.u32 $0xFFFF8000, s7;
	s8 =	sand.u32 $0x380, s8;
	s7 =	sshll.u32 s1, $0xB  }
0xc: {  	[dreg:$0xa] =	wrdreg s30;
	s6 =	sor.u32 s8, s23;
	s8 =	sshll.u32 s1, $0x7  }
0xd: {  	s1 =	sshll.u32 s1, $0xE;
	s16 =	ssub.s32 $0x0, s7;
	s23 =	simm.s32 $0x80  }
0xe: {  	s10 =	sshrl.u32 s6, $0x3;
	s9 =	sadd.s32 $0x80, s8;
	s24 =	sor.u32 s1, s6  }
0xf: {  	s12 =	smax.u32 s8, $0x1;
	s0 =	sadd.s32 s0, s10;
	s25 =	sadd.s32 s2, s10  }
0x10: {  	s29 =	sshll.u32 s12, $0x6;
	[dreg:$0x7] =	wrdreg s0;
	s0 =	sshrl.u32 s24, $0x3  }
0x11: {  	[dreg:$0x8] =	wrdreg s25;
	s31 =	sadd.s32 $0x7C, s29;
	s0 =	sadd.s32 s4, s0  }
0x12: {  	s26 =	sshll.u32 s12, $0x4;
	[dreg:$0x9] =	wrdreg s0;
	s0 =	sshrl.u32 s31, $0x2  }
0x13: {  	v0 =	vimm.s32 $0x1;
	s15 =	sadd.s32 $0x30, s26;
	s26 =	simm.s32 $0x400;
	[dreg:$0xb] =	wrdreg s0  }
.LBB2_1:
0x14: {  	s0 =	rddreg [dreg:$0x1];
	s1 =	simm.s32 $0x0;
	s2 =	simm.s32 $0x2800  }
0x15: {  	[tilespmem:s2], [sflag:$0x3] =	stream.linear.gather [hbm4b:s0+s1], $0x80, $0x38;
	[tilespmem:$0x2A00] =	vst v63  }
0x16: {  	s11 =	rddreg [dreg:$0x3];
	s13 =	simm.s32 $0x2880  }
0x17: {  	[tilespmem:s13], [sflag:$0x3] =	stream.linear.gather [hbm4b:s11+s1], $0x80, $0x38;
	[tilespmem:$0x2A00] =	vst v63  }
0x18: {  	s14 =	rddreg [dreg:$0x7]  }
0x19: {  	[tilespmem:s1], [sflag:$0x1] =	stream.strided.gather [hbm4b:s14+s23], $0x1000, s26, s23, $0x38;
	[tilespmem:$0x2A00] =	vst v63  }
0x1a: {  	s17 =	rddreg [dreg:$0x8];
	s18 =	simm.s32 $0x1000;
	s19 =	simm.s32 $0x3  }
0x1b: {  	[tilespmem:s18], [sflag:$0x2] =	stream.strided.gather [hbm4b:s17+s23], $0x1000, s26, s23, $0x38;
	[tilespmem:$0x2A00] =	vst v63  }
0x1c: {  	_ =	swait.ge [sflag:s19], $0x80  }
0x1d: {  	[sflag:s19] =	ssyncset.done $0x0  }
0x1e: {  	[sflag:s19] =	ssyncadd.s32 $0xFFFFFF80  }
0x1f: {  	_ =	swait.ge [sflag:s19], $0x80  }
0x20: {  	[sflag:s19] =	ssyncset.done $0x0  }
0x21: {  	[sflag:s19] =	ssyncadd.s32 $0xFFFFFF80  }
0x22: {  	v1 =	vld [tilespmem:$0x2800]  }
0x23: {  	v2 =	vld [tilespmem:$0x2880];
	_ =	sdelay $0x3  }
0x24: {  	[tilespmem:$0x2900] =	vst v1  }
0x25: {  	s20 =	rddreg [dreg:$0x6];
	[tilespmem:$0x2980] =	vst v2  }
0x26: {  	v1 =	vld [tilespmem:s20+$0x2900]  }
0x27: {  	v2 =	vld [tilespmem:s20+$0x2980];
	_ =	sdelay $0x3  }
0x28: {  	(v2sf) =	vpush v1, $0x0  }
0x29: {  	(v2sf) =	vpush v2, $0x0;
	_ =	sdelay $0xd  }
0x2a: {  	s1 =	spop (v2sf)  }
0x2b: {  	s0 =	spop (v2sf)  }
0x2c: {  	p0 =	slt.s32 s0, $0x7FE;
	s2 =	smov.u32 s0  }
0x2d: {  	s2 =	simm.s32 @!p0 $0x7FE  }
0x2e: {  	s29 =	ssub.s32 $0xFFC, s2  }
0x2f: {  	p0 =	slt.s32 s1, s29  }
0x30: {  	s29 =	smov.u32 @p0 s1  }
0x31: {  	p0 =	sgt.s32 s29, $0x0  }
0x32: {  	p1 =	sne.s32 s29, $0x7FFFFFFF;
	s29 =	simm.s32 @!p0 $0x0  }
0x33: {  	s1 =	simm.s32 $0x1;
	s31 =	sadd.s32 $0x1, s29  }
0x34: {  	s1 =	simm.s32 @!p1 $0x0;
	s21 =	sshra.s32 s31, $0x1F  }
0x35: {  	s3 =	sand.u32 $0xF, s31;
	s1 =	sadd.s32 s1, s21  }
0x36: {  	p6 =	sne.s32 s3, $0x0;
	p5 =	sne.s32 s1, $0x1  }
0x37: {  	s22 =	sshrl.u32 s21, $0x1C;
	p0 =	por !p6, !p5  }
0x38: {  	s2 =	simm.s32 $0x1;
	s1 =	sadd.s32 s22, s31;
	p0 =	por !p0, !p0  }
0x39: {  	s1 =	sshra.s32 s1, $0x4;
	s2 =	simm.s32 @!p0 $0x0  }
0x3a: {  	s30 =	ssub.s32 s1, s2  }
0x3b: {  	p0 =	slt.s32 s9, s30;
	s2 =	smov.u32 s30  }
0x3c: {  	s2 =	smov.u32 @p0 s9  }
0x3d: {  	s1 =	smov.u32 s12;
	p0 =	sgt.s32 s2, s12  }
0x3e: {  	s1 =	smov.u32 @p0 s2  }
0x3f: {  	s2 =	ssub.s32 s1, s12  }
0x40: {  	s24 =	sshra.s32 s2, $0x1F  }
0x41: {  	s3 =	sshrl.u32 s24, $0x1E  }
0x42: {  	s3 =	sadd.s32 s3, s2  }
0x43: {  	s4 =	simm.s32 $0x1;
	s3 =	sand.u32 $0xFFFFFFFC, s3  }
0x44: {  	_ =	swait.ge [sflag:s4], $0x1000;
	p0 =	slt.s32 s3, $0x1  }
.Ltmp0:
0x45: {  	[sflag:s4] =	ssyncset.done $0x0;
	(pc) =	sbr.rel @p0 .LBB2_2-.Ltmp0, $4  }
0x46: {  	s25 =	simm.s32 $0x2;
	[sflag:s4] =	ssyncadd.s32 $0xFFFFF000  }
0x47: {  	_ =	swait.ge [sflag:s25], $0x1000  }
0x48: {  	[sflag:s25] =	ssyncset.done $0x0  }
0x49: {  	[sflag:s25] =	ssyncadd.s32 $0xFFFFF000;
	s10 =	sadd.s32 s12, s3  }
0x4a: {  	s11 =	sadd.s32 $0x4, s12;
	s5 =	rddreg [dreg:$0xb]  }
0x4b: {  	s4 =	sadd.s32 s15, s16;
	s6 =	sadd.s32 $0xFFFFFFE0, s15;
	s13 =	sadd.s32 $0xFFFFFFF0, s15  }
0x4c: {  	s19 =	sand.u32 $0x70, s15;
	s24 =	sadd.s32 $0xFFFFFFD0, s15;
	p0 =	slt.s32 s11, s10;
	v4 =	vld [tilespmem:s5+$0x10]  }
.Ltmp1:
0x4d: {  	s14 =	sadd.s32 $0xFFFFFFD0, s4;
	s18 =	sand.u32 $0xFFFFFF80, s4;
	(pc) =	sbr.rel @!p0 .LBB2_25-.Ltmp1, $4  }
0x4e: {  	s20 =	sadd.s32 $0xFFFFFFE0, s4;
	s21 =	sadd.s32 $0xFFFFFFF0, s4;
	v1 =	vld [tilespmem:s5+$0xFFFFFFE0];
	s25 =	sand.u32 $0x70, s24  }
0x4f: {  	v2 =	vld [tilespmem:s5+$0xFFFFFFF0];
	s4 =	sand.u32 $0x70, s6;
	s6 =	sand.u32 $0x70, s13;
	s13 =	sadd.s32 $0x40, s5  }
0x50: {  	v3 =	vld [tilespmem:s5+$0x0];
	s18 =	sor.u32 s19, s18;
	s22 =	sand.u32 $0xFFFFFF80, s14;
	s14 =	sand.u32 $0xFFFFFF80, s20  }
0x51: {  	s19 =	sand.u32 $0xFFFFFF80, s21;
	s20 =	sor.u32 s25, s22;
	[tilespmem:s18+$0x2000] =	vst v4;
	s18 =	smov.u32 s15  }
.LBB2_24:
0x52: {  	s11 =	sadd.s32 $0x4, s11  }
0x53: {  	v4 =	vld [tilespmem:s13+$0x10];
	[tilespmem:s20+$0x2000] =	vst v1;
	s4 =	sor.u32 s4, s14;
	s6 =	sor.u32 s6, s19;
	s18 =	sadd.s32 $0x40, s18  }
0x54: {  	v1 =	vld [tilespmem:s13+$0xFFFFFFE0];
	p0 =	slt.s32 s11, s10;
	[tilespmem:s4+$0x2000] =	vst v2;
	s4 =	sadd.s32 s18, s16  }
0x55: {  	s19 =	sadd.s32 $0xFFFFFFE0, s18;
	s21 =	sadd.s32 $0xFFFFFFF0, s18;
	s20 =	sand.u32 $0x70, s18;
	v2 =	vld [tilespmem:s13+$0xFFFFFFF0];
	[tilespmem:s6+$0x2000] =	vst v3  }
.Ltmp2:
0x56: {  	s6 =	sadd.s32 $0xFFFFFFD0, s4;
	s14 =	sand.u32 $0xFFFFFF80, s4;
	v3 =	vld [tilespmem:s13+$0x0];
	(pc) =	sbr.rel @p0 .LBB2_24-.Ltmp2, $4  }
0x57: {  	s22 =	sadd.s32 $0xFFFFFFE0, s4;
	s24 =	sadd.s32 $0xFFFFFFF0, s4;
	s4 =	sor.u32 s20, s14  }
0x58: {  	s20 =	sadd.s32 $0xFFFFFFD0, s18;
	s6 =	sand.u32 $0xFFFFFF80, s6;
	s14 =	sand.u32 $0xFFFFFF80, s22;
	[tilespmem:s4+$0x2000] =	vst v4  }
0x59: {  	s20 =	sand.u32 $0x70, s20;
	s4 =	sand.u32 $0x70, s19;
	s19 =	sand.u32 $0xFFFFFF80, s24  }
0x5a: {  	s13 =	sadd.s32 $0x40, s13;
	s20 =	sor.u32 s20, s6;
	s6 =	sand.u32 $0x70, s21  }
.LBB2_25:
0x5b: {  	_ = 	snop  }
0x5c: {  	s4 =	sor.u32 s4, s14;
	[tilespmem:s20+$0x2000] =	vst v1  }
0x5d: {  	s6 =	sor.u32 s6, s19;
	[tilespmem:s4+$0x2000] =	vst v2  }
0x5e: {  	[tilespmem:s6+$0x2000] =	vst v3  }
.LBB2_2:
0x5f: {  	p0 =	sge.s32 s10, s1  }
.Ltmp3:
0x60: {  	_ = 	snop;
	(pc) =	sbr.rel @p0 .LBB2_5-.Ltmp3, $1  }
0x61: {  	_ =	sdelay $0x3  }
0x62: {  	s2 =	ssub.s32 s2, s3  }
0x63: {  	s22 =	sshll.u32 s1, $0x6;
	s4 =	sshll.u32 s2, $0x6  }
0x64: {  	s3 =	ssub.s32 s22, s4  }
0x65: {  	s24 =	sshll.u32 s1, $0x4;
	s25 =	sshll.u32 s2, $0x4;
	s3 =	sshra.s32 s3, $0x2  }
0x66: {  	s1 =	ssub.s32 s24, s25;
	s3 =	sadd.s32 $0xFFFFFFFF, s3  }
.LBB2_4:
0x67: {  	v1 =	vld [tilespmem:s3+$0x0];
	p0 =	sne.s32 s2, $0x1  }
.Ltmp4:
0x68: {  	_ = 	snop;
	(pc) =	sbr.rel @p0 .LBB2_4-.Ltmp4, $4  }
0x69: {  	s4 =	sadd.s32 s1, s16  }
0x6a: {  	s6 =	sand.u32 $0x70, s1;
	s4 =	sand.u32 $0xFFFFFF80, s4  }
0x6b: {  	s4 =	sor.u32 s6, s4  }
0x6c: {  	s1 =	sadd.s32 $0x10, s1;
	s3 =	sadd.s32 $0x10, s3;
	s2 =	sadd.s32 $0xFFFFFFFF, s2;
	[tilespmem:s4+$0x2000] =	vst v1  }
.LBB2_5:
0x6d: {  	s2 =	ssub.s32 $0xFFC, s29  }
0x6e: {  	s1 =	sadd.s32 $0x3, s29;
	p0 =	slt.s32 s0, s2  }
0x6f: {  	s4 =	simm.s32 $0x1;
	s10 =	simm.s32 $0x1;
	s2 =	smov.u32 @p0 s0  }
0x70: {  	s20 =	sand.u32 $0xF, s1;
	s3 =	sshra.s32 s1, $0x1F;
	p0 =	sgt.s32 s2, $0x0  }
0x71: {  	p1 =	slt.s32 s1, $0x0;
	p2 =	sne.s32 s20, $0x0;
	s2 =	simm.s32 @!p0 $0x0  }
0x72: {  	s21 =	sshrl.u32 s3, $0x1C;
	p4 =	por !p1, !p2;
	s3 =	sadd.s32 s1, s2  }
0x73: {  	s0 =	sadd.s32 s21, s1;
	p0 =	por !p4, !p4;
	s2 =	sand.u32 $0xF, s3  }
0x74: {  	s6 =	sshra.s32 s3, $0x1F;
	p5 =	slt.s32 s3, $0x1;
	p6 =	sne.s32 s2, $0x0  }
0x75: {  	s4 =	simm.s32 @!p0 $0x0;
	s22 =	sshrl.u32 s6, $0x1C;
	p0 =	por !p5, !p6  }
0x76: {  	s0 =	sshra.s32 s0, $0x4;
	s6 =	sadd.s32 s22, s3;
	p0 =	por !p0, !p0  }
0x77: {  	s2 =	ssub.s32 s0, s4;
	s24 =	sshra.s32 s6, $0x4;
	s10 =	simm.s32 @!p0 $0x0  }
0x78: {  	s4 =	sadd.s32 $0x1, s2;
	s0 =	ssub.s32 s24, s10  }
0x79: {  	p0 =	sgt.s32 s8, s4;
	p1 =	slt.s32 s9, s0;
	s6 =	smov.u32 s0  }
0x7a: {  	s4 =	smov.u32 @p0 s8;
	s6 =	smov.u32 @p1 s9  }
0x7b: {  	s18 =	smov.u32 s4;
	p0 =	sgt.s32 s6, s4  }
0x7c: {  	s18 =	smov.u32 @p0 s6  }
0x7d: {  	s19 =	ssub.s32 s18, s4  }
0x7e: {  	s25 =	sshra.s32 s19, $0x1F  }
0x7f: {  	s6 =	sshrl.u32 s25, $0x1E  }
0x80: {  	s6 =	sadd.s32 s6, s19  }
0x81: {  	s22 =	sand.u32 $0xFFFFFFFC, s6  }
0x82: {  	p0 =	slt.s32 s22, $0x1  }
.Ltmp5:
0x83: {  	_ = 	snop;
	(pc) =	sbr.rel @p0 .LBB2_9-.Ltmp5, $2  }
0x84: {  	_ =	sdelay $0x2  }
0x85: {  	s25 =	sshll.u32 s29, $0x2;
	s10 =	sadd.s32 s4, s22  }
0x86: {  	s6 =	sshll.u32 s4, $0x6  }
0x87: {  	s11 =	sshll.u32 s4, $0x4;
	s6 =	ssub.s32 s6, s25  }
0x88: {  	s13 =	sadd.s32 $0x4, s4;
	s11 =	sadd.s32 $0x30, s11;
	s6 =	sshra.s32 s6, $0x2  }
0x89: {  	p0 =	slt.s32 s13, s10;
	s23 =	sadd.s32 s11, s16;
	s14 =	sadd.s32 $0x101D, s6  }
0x8a: {  	s21 =	sadd.s32 $0xFFFFFFF0, s11;
	s26 =	sand.u32 $0x70, s11;
	s6 =	sadd.s32 $0xFFFFFFE0, s11;
	v4 =	vld [tilespmem:s14+$0x10]  }
.Ltmp6:
0x8b: {  	s20 =	sadd.s32 $0xFFFFFFD0, s23;
	s24 =	sand.u32 $0xFFFFFF80, s23;
	(pc) =	sbr.rel @!p0 .LBB2_8-.Ltmp6, $4  }
0x8c: {  	s5 =	sadd.s32 $0xFFFFFFE0, s23;
	s23 =	sadd.s32 $0xFFFFFFF0, s23;
	s21 =	sand.u32 $0x70, s21;
	v1 =	vld [tilespmem:s14+$0xFFFFFFE0]  }
0x8d: {  	s24 =	sor.u32 s26, s24;
	s26 =	sadd.s32 $0xFFFFFFD0, s11;
	s17 =	sand.u32 $0xFFFFFF80, s20;
	v2 =	vld [tilespmem:s14+$0xFFFFFFF0]  }
0x8e: {  	s4 =	sand.u32 $0xFFFFFF80, s5;
	s6 =	sand.u32 $0x70, s6;
	v3 =	vld [tilespmem:s14+$0x0];
	s26 =	sand.u32 $0x70, s26  }
0x8f: {  	s20 =	sand.u32 $0xFFFFFF80, s23;
	s14 =	sadd.s32 $0x40, s14;
	[tilespmem:s24+$0x2000] =	vst v4;
	s24 =	sor.u32 s26, s17  }
.LBB2_7:
0x90: {  	s13 =	sadd.s32 $0x4, s13  }
0x91: {  	v4 =	vld [tilespmem:s14+$0x10];
	[tilespmem:s24+$0x2000] =	vst v1;
	s4 =	sor.u32 s6, s4;
	s5 =	sor.u32 s21, s20;
	s11 =	sadd.s32 $0x40, s11  }
0x92: {  	v1 =	vld [tilespmem:s14+$0xFFFFFFE0];
	p0 =	slt.s32 s13, s10;
	[tilespmem:s4+$0x2000] =	vst v2;
	s4 =	sadd.s32 s11, s16  }
0x93: {  	s6 =	sadd.s32 $0xFFFFFFE0, s11;
	s17 =	sadd.s32 $0xFFFFFFF0, s11;
	s21 =	sand.u32 $0x70, s11;
	v2 =	vld [tilespmem:s14+$0xFFFFFFF0];
	[tilespmem:s5+$0x2000] =	vst v3  }
.Ltmp7:
0x94: {  	s5 =	sadd.s32 $0xFFFFFFD0, s4;
	s20 =	sand.u32 $0xFFFFFF80, s4;
	v3 =	vld [tilespmem:s14+$0x0];
	(pc) =	sbr.rel @p0 .LBB2_7-.Ltmp7, $4  }
0x95: {  	s23 =	sadd.s32 $0xFFFFFFE0, s4;
	s24 =	sadd.s32 $0xFFFFFFF0, s4;
	s20 =	sor.u32 s21, s20  }
0x96: {  	s21 =	sadd.s32 $0xFFFFFFD0, s11;
	s5 =	sand.u32 $0xFFFFFF80, s5;
	s4 =	sand.u32 $0xFFFFFF80, s23;
	[tilespmem:s20+$0x2000] =	vst v4  }
0x97: {  	s6 =	sand.u32 $0x70, s6;
	s21 =	sand.u32 $0x70, s21;
	s20 =	sand.u32 $0xFFFFFF80, s24  }
0x98: {  	s14 =	sadd.s32 $0x40, s14;
	s24 =	sor.u32 s21, s5;
	s21 =	sand.u32 $0x70, s17  }
.LBB2_8:
0x99: {  	_ = 	snop  }
0x9a: {  	s4 =	sor.u32 s6, s4;
	[tilespmem:s24+$0x2000] =	vst v1  }
0x9b: {  	s5 =	sor.u32 s21, s20;
	[tilespmem:s4+$0x2000] =	vst v2  }
0x9c: {  	s23 =	simm.s32 $0x80;
	s26 =	simm.s32 $0x400;
	[tilespmem:s5+$0x2000] =	vst v3  }
.LBB2_9:
0x9d: {  	p0 =	sge.s32 s10, s18  }
.Ltmp8:
0x9e: {  	_ = 	snop;
	(pc) =	sbr.rel @p0 .LBB2_12-.Ltmp8, $1  }
0x9f: {  	_ =	sdelay $0x3  }
0xa0: {  	s4 =	ssub.s32 s19, s22;
	s6 =	sshll.u32 s18, $0x6  }
0xa1: {  	s6 =	ssub.s32 s6, s25;
	s10 =	sshll.u32 s4, $0x6  }
0xa2: {  	s6 =	ssub.s32 s6, s10  }
0xa3: {  	s25 =	sshll.u32 s18, $0x4;
	s11 =	sshll.u32 s4, $0x4;
	s13 =	sshra.s32 s6, $0x2  }
0xa4: {  	s6 =	ssub.s32 s25, s11;
	s10 =	sadd.s32 $0xFFD, s13  }
.LBB2_11:
0xa5: {  	v1 =	vld [tilespmem:s10+$0x0];
	p0 =	sne.s32 s4, $0x1  }
.Ltmp9:
0xa6: {  	_ = 	snop;
	(pc) =	sbr.rel @p0 .LBB2_11-.Ltmp9, $4  }
0xa7: {  	s5 =	sadd.s32 s6, s16  }
0xa8: {  	s11 =	sand.u32 $0x70, s6;
	s5 =	sand.u32 $0xFFFFFF80, s5  }
0xa9: {  	s5 =	sor.u32 s11, s5  }
0xaa: {  	s6 =	sadd.s32 $0x10, s6;
	s10 =	sadd.s32 $0x10, s10;
	s4 =	sadd.s32 $0xFFFFFFFF, s4;
	[tilespmem:s5+$0x2000] =	vst v1  }
.LBB2_12:
0xab: {  	s6 =	sadd.s32 $0x1, s0  }
0xac: {  	p0 =	sgt.s32 s8, s6  }
0xad: {  	s6 =	smov.u32 @p0 s8  }
0xae: {  	s10 =	smax.u32 s9, s6  }
0xaf: {  	s18 =	ssub.s32 s10, s6  }
0xb0: {  	s4 =	sshra.s32 s18, $0x1F  }
0xb1: {  	s4 =	sshrl.u32 s4, $0x1E  }
0xb2: {  	s4 =	sadd.s32 s4, s18  }
0xb3: {  	s19 =	sand.u32 $0xFFFFFFFC, s4  }
0xb4: {  	p0 =	slt.s32 s19, $0x1  }
.Ltmp10:
0xb5: {  	_ = 	snop;
	(pc) =	sbr.rel @p0 .LBB2_16-.Ltmp10, $2  }
0xb6: {  	_ =	sdelay $0x2  }
0xb7: {  	s22 =	sadd.s32 s6, s19  }
0xb8: {  	s4 =	sshll.u32 s6, $0x4;
	s11 =	sadd.s32 $0x4, s6  }
0xb9: {  	s4 =	sadd.s32 $0x30, s4;
	p0 =	slt.u32 s11, s22  }
0xba: {  	s5 =	sadd.s32 s4, s16;
	s13 =	sadd.s32 $0xFFFFFFE0, s4;
	s25 =	sadd.s32 $0xFFFFFFF0, s4  }
0xbb: {  	s20 =	sadd.s32 $0xFFFFFFD0, s4;
	s14 =	sadd.s32 $0xFFFFFFF0, s5;
	s17 =	sadd.s32 $0xFFFFFFD0, s5  }
.Ltmp11:
0xbc: {  	s6 =	sand.u32 $0x70, s25;
	s21 =	sadd.s32 $0xFFFFFFE0, s5;
	(pc) =	sbr.rel @!p0 .LBB2_15-.Ltmp11, $4  }
0xbd: {  	s20 =	sand.u32 $0x70, s20;
	s13 =	sand.u32 $0x70, s13;
	s14 =	sand.u32 $0xFFFFFF80, s14  }
0xbe: {  	s5 =	sand.u32 $0xFFFFFF80, s5;
	s17 =	sand.u32 $0xFFFFFF80, s17;
	s6 =	sor.u32 s6, s14  }
0xbf: {  	s25 =	sand.u32 $0x70, s4;
	s24 =	sand.u32 $0xFFFFFF80, s21;
	s17 =	sor.u32 s20, s17;
	[tilespmem:s6+$0x2000] =	vst v0  }
0xc0: {  	s14 =	sor.u32 s13, s24;
	s13 =	sadd.s32 $0x40, s4;
	s6 =	sor.u32 s25, s5;
	[tilespmem:s17+$0x2000] =	vst v0  }
.LBB2_14:
0xc1: {  	s4 =	sadd.s32 s13, s16  }
0xc2: {  	s5 =	sadd.s32 $0xFFFFFFE0, s13;
	s11 =	sadd.s32 $0x4, s11;
	[tilespmem:s14+$0x2000] =	vst v0;
	s14 =	sadd.s32 $0xFFFFFFF0, s13  }
0xc3: {  	s20 =	sadd.s32 $0xFFFFFFD0, s13;
	s17 =	sadd.s32 $0xFFFFFFF0, s4;
	p0 =	slt.u32 s11, s22;
	[tilespmem:s6+$0x2000] =	vst v0  }
0xc4: {  	s6 =	sadd.s32 $0xFFFFFFD0, s4;
	s14 =	sand.u32 $0x70, s14;
	s17 =	sand.u32 $0xFFFFFF80, s17  }
.Ltmp12:
0xc5: {  	s21 =	sadd.s32 $0xFFFFFFE0, s4;
	s14 =	sor.u32 s14, s17;
	(pc) =	sbr.rel @p0 .LBB2_14-.Ltmp12, $4  }
0xc6: {  	s6 =	sand.u32 $0xFFFFFF80, s6;
	s17 =	sand.u32 $0x70, s20;
	s20 =	sand.u32 $0xFFFFFF80, s21;
	[tilespmem:s14+$0x2000] =	vst v0  }
0xc7: {  	s5 =	sand.u32 $0x70, s5;
	s4 =	sand.u32 $0xFFFFFF80, s4;
	s21 =	sand.u32 $0x70, s13  }
0xc8: {  	s17 =	sor.u32 s17, s6;
	s14 =	sor.u32 s5, s20;
	s6 =	sor.u32 s21, s4  }
0xc9: {  	s13 =	sadd.s32 $0x40, s13;
	[tilespmem:s17+$0x2000] =	vst v0  }
.LBB2_15:
0xca: {  	[tilespmem:s14+$0x2000] =	vst v0  }
0xcb: {  	[tilespmem:s6+$0x2000] =	vst v0  }
.LBB2_16:
0xcc: {  	p0 =	sge.s32 s22, s10  }
.Ltmp13:
0xcd: {  	_ = 	snop;
	(pc) =	sbr.rel @p0 .LBB2_19-.Ltmp13, $1  }
0xce: {  	_ =	sdelay $0x3  }
0xcf: {  	s4 =	ssub.s32 s18, s19  }
0xd0: {  	s5 =	sshll.u32 s10, $0x4;
	s6 =	sshll.u32 s4, $0x4  }
0xd1: {  	s6 =	ssub.s32 s5, s6  }
.LBB2_18:
0xd2: {  	p0 =	seq.s32 s4, $0x1  }
.Ltmp14:
0xd3: {  	_ = 	snop;
	(pc) =	sbr.rel @!p0 .LBB2_18-.Ltmp14, $4  }
0xd4: {  	s5 =	sadd.s32 s6, s16  }
0xd5: {  	s10 =	sand.u32 $0x70, s6;
	s5 =	sand.u32 $0xFFFFFF80, s5  }
0xd6: {  	s5 =	sor.u32 s10, s5  }
0xd7: {  	s6 =	sadd.s32 $0x10, s6;
	s4 =	sadd.s32 $0xFFFFFFFF, s4;
	[tilespmem:s5+$0x2000] =	vst v0  }
.LBB2_19:
0xd8: {  	v3 =	vmov s1;
	p0 =	por $0x0, $0x0;
	s1 =	smov.u32 s0  }
0xd9: {  	p1 =	por $0x0, $0x0;
	s1 =	smov.u32 @p0 s2  }
0xda: {  	p0 =	por $0x1, $0x1;
	s1 =	smov.u32 @p1 s30  }
0xdb: {  	s1 =	simm.s32 @p0 $0x0  }
0xdc: {  	p1 =	slt.s32 s1, s8  }
0xdd: {  	p2 =	sge.s32 @!p1 s1, s9  }
0xde: {  	p3 =	por p2, p1  }
0xdf: {  	s1 =	sshll.u32 @!p3 s1, $0x4  }
0xe0: {  	v4 =	vmov s3;
	s3 =	sadd.s32 @!p3 $0xFFFFFFFF, s1;
	s4 =	ssub.s32 @!p3 s1, s29  }
0xe1: {  	p0 =	sgt.s32 @!p3 s3, $0x0;
	s5 =	sadd.s32 @!p3 $0xFFFFFFFD, s4  }
0xe2: {  	p0 =	por @!p1 !p0, p2;
	p4 =	sgt.s32 @!p3 s5, $0x0  }
0xe3: {  	s4 =	smov.u32 s3;
	p0 =	por !p0, p1;
	p4 =	por @!p1 !p4, p2  }
0xe4: {  	s6 =	smov.u32 s5;
	s4 =	simm.s32 @!p0 $0x0;
	p0 =	por !p4, p1  }
0xe5: {  	s10 =	smin.u32 @!p3 s4, $0xFF0;
	s6 =	simm.s32 @!p0 $0x0;
	p0 =	por p3, p3  }
0xe6: {  	s25 =	sadd.s32 $0x2, s29;
	s11 =	ssub.s32 @!p0 s3, s10;
	s4 =	smin.u32 @!p0 s6, $0xFF0  }
0xe7: {  	v1 =	vmov s31;
	v2 =	vmov s25;
	s3 =	simm.s32 $0x1;
	v5 =	vld @!p3 [tilespmem:s10+$0x0];
	p5 =	sgt.s32 @!p0 s11, $0xFFFFFFF0;
	s10 =	ssub.s32 @!p0 s5, s4  }
.LBB2_20:
0xe8: {  	p3 =	seq.s32 s3, $0x0  }
0xe9: {  	p6 =	sgt.s32 @!p0 s10, $0xFFFFFFF0;
	s5 =	simm.s32 @!p3 $0x0  }
0xea: {  	p4 =	seq.s32 s3, $0x2;
	s5 =	simm.s32 @p3 $0x1;
	p3 =	por @!p1 !p5, p2  }
0xeb: {  	p6 =	por @!p1 !p6, p2;
	p5 =	seq.s32 s3, $0x1;
	p3 =	por !p3, p1  }
0xec: {  	[smem:$0x7FD] =	sst s5;
	[tilespmem:$0x2910] =	vst @!p0 v5;
	s11 =	simm.s32 @!p3 $0xFFFFFFF0;
	p3 =	por !p6, p1  }
0xed: {  	s5 =	sld [smem:$0x7FD];
	v5 =	vld @!p0 [tilespmem:s4+$0x1000];
	s4 =	smov.u32 s0;
	s10 =	simm.s32 @!p3 $0xFFFFFFF0  }
0xee: {  	s4 =	smov.u32 @p4 s2;
	p4 =	slt.s32 @!p0 s11, $0x10;
	p6 =	slt.s32 @!p0 s10, $0x10  }
0xef: {  	p4 =	por @!p1 !p4, p2;
	p2 =	por @!p1 !p6, p2;
	s4 =	smov.u32 @p5 s30  }
0xf0: {  	p4 =	por !p4, p1;
	p1 =	por !p2, p1;
	p2 =	seq.s32 s5, $0x1  }
0xf1: {  	s11 =	simm.s32 @!p4 $0x10;
	s4 =	simm.s32 @p2 $0x0  }
0xf2: {  	s10 =	simm.s32 @!p1 $0x10;
	v6 =	vld @!p0 [tilespmem:s11+$0x2910];
	[tilespmem:$0x2990] =	vst @!p0 v5;
	p1 =	slt.s32 s4, s8  }
0xf3: {  	v5 =	vlaneseq.u32 @!p0;
	v7 =	vld @!p0 [tilespmem:s10+$0x2990];
	p2 =	sge.s32 @!p1 s4, s9  }
0xf4: {  	v8 =	vmov @!p0 s1;
	v9 =	vor.u32 @!p0 s1, v5;
	p4 =	por p2, p1  }
0xf5: {  	vm0 =	vne.s32 @!p0 v8, v5;
	vm1 =	veq.s32 @!p0 v9, v4;
	s4 =	sshll.u32 @!p4 s4, $0x4  }
0xf6: {  	s3 =	sadd.s32 $0x1, s3;
	vm2 =	vge.s32 @!p0 v9, v3;
	vm3 =	vlt.s32 @!p0 v9, v4;
	vm4 =	vlt.s32 @!p0 v9, v1;
	s5 =	sadd.s32 @!p4 $0xFFFFFFFF, s4  }
0xf7: {  	s6 =	sand.u32 @!p0 $0x70, s1;
	p3 =	sne.s32 s3, $0x4;
	vm5 =	veq.s32 @!p0 v9, v2;
	vm2 =	vmand @!p0 vm2, vm3;
	vm3 =	veq.s32 @!p0 v9, v1;
	p5 =	sgt.s32 @!p4 s5, $0x0  }
0xf8: {  	s1 =	ssub.s32 @!p0 s1, s7;
	vm0 =	vmand @!p0 vm0, vm4;
	s10 =	ssub.s32 @!p4 s4, s29;
	v7 =	vnsel @!p0 vm2, $0x1, v7;
	vm2 =	vmor @!p0 vm3, vm5;
	p5 =	por @!p1 !p5, p2  }
0xf9: {  	s10 =	sadd.s32 @!p4 $0xFFFFFFFD, s10;
	s11 =	smov.u32 s5;
	v6 =	vsel @!p0 vm0, v6, v7;
	vm0 =	vmor @!p0 vm1, vm2;
	p5 =	por !p5, p1  }
0xfa: {  	s1 =	sand.u32 @!p0 $0xFFFFFF80, s1;
	v6 =	vsel @!p0 vm0, $0x2, v6;
	vm0 =	veq.s32 @!p0 v8, v5;
	s11 =	simm.s32 @!p5 $0x0;
	p5 =	sgt.s32 @!p4 s10, $0x0  }
.Ltmp15:
0xfb: {  	s1 =	sor.u32 @!p0 s6, s1;
	v5 =	vsel @!p0 vm0, $0x0, v6;
	p5 =	por @!p1 !p5, p2;
	(pc) =	sbr.rel @p3 .LBB2_20-.Ltmp15, $4  }
0xfc: {  	[tilespmem:s1+$0x2000] =	vst @!p0 v5;
	p5 =	por !p5, p1;
	s1 =	smov.u32 s4;
	s4 =	smov.u32 s10  }
0xfd: {  	s6 =	smin.u32 @!p4 s11, $0xFF0;
	p0 =	por p4, p4;
	s4 =	simm.s32 @!p5 $0x0  }
0xfe: {  	s11 =	ssub.s32 @!p0 s5, s6;
	s4 =	smin.u32 @!p0 s4, $0xFF0  }
0xff: {  	v5 =	vld @!p4 [tilespmem:s6+$0x0];
	p5 =	sgt.s32 @!p0 s11, $0xFFFFFFF0;
	s10 =	ssub.s32 @!p0 s10, s4  }
0x100: {  	_ =	sdelay $0x2  }
0x101: {  	p3 =	por @!p1 !p5, p2;
	p4 =	sgt.s32 @!p0 s10, $0xFFFFFFF0  }
0x102: {  	p3 =	por !p3, p1;
	p4 =	por @!p1 !p4, p2;
	[tilespmem:$0x2910] =	vst @!p0 v5  }
0x103: {  	s11 =	simm.s32 @!p3 $0xFFFFFFF0;
	p3 =	por !p4, p1;
	v5 =	vld @!p0 [tilespmem:s4+$0x1000]  }
0x104: {  	p4 =	slt.s32 @!p0 s11, $0x10;
	s10 =	simm.s32 @!p3 $0xFFFFFFF0  }
0x105: {  	p3 =	por @!p1 !p4, p2;
	p4 =	slt.s32 @!p0 s10, $0x10  }
0x106: {  	p3 =	por !p3, p1;
	p2 =	por @!p1 !p4, p2  }
0x107: {  	s11 =	simm.s32 @!p3 $0x10;
	p1 =	por !p2, p1  }
0x108: {  	v6 =	vld @!p0 [tilespmem:s11+$0x2910];
	s10 =	simm.s32 @!p1 $0x10;
	[tilespmem:$0x2990] =	vst @!p0 v5  }
0x109: {  	v5 =	vlaneseq.u32 @!p0;
	v7 =	vld @!p0 [tilespmem:s10+$0x2990]  }
0x10a: {  	v8 =	vmov @!p0 s1;
	v9 =	vor.u32 @!p0 s1, v5  }
0x10b: {  	vm0 =	vne.s32 @!p0 v8, v5;
	vm1 =	veq.s32 @!p0 v9, v4  }
0x10c: {  	vm2 =	vge.s32 @!p0 v9, v3;
	vm3 =	vlt.s32 @!p0 v9, v4;
	vm4 =	vlt.s32 @!p0 v9, v1  }
0x10d: {  	vm5 =	veq.s32 @!p0 v9, v2;
	vm2 =	vmand @!p0 vm2, vm3;
	vm3 =	veq.s32 @!p0 v9, v1  }
0x10e: {  	vm0 =	vmand @!p0 vm0, vm4;
	v1 =	vnsel @!p0 vm2, $0x1, v7;
	vm2 =	vmor @!p0 vm3, vm5  }
0x10f: {  	s0 =	ssub.s32 @!p0 s1, s7;
	v1 =	vsel @!p0 vm0, v6, v1;
	vm0 =	vmor @!p0 vm1, vm2  }
0x110: {  	s0 =	sand.u32 @!p0 $0xFFFFFF80, s0;
	s1 =	sand.u32 @!p0 $0x70, s1;
	v1 =	vsel @!p0 vm0, $0x2, v1;
	vm0 =	veq.s32 @!p0 v8, v5  }
0x111: {  	s0 =	sor.u32 @!p0 s1, s0;
	v1 =	vsel @!p0 vm0, $0x0, v1  }
0x112: {  	s25 =	rddreg [dreg:$0x9];
	s29 =	simm.s32 $0x2000;
	s30 =	simm.s32 $0x4;
	[tilespmem:s0+$0x2000] =	vst @!p0 v1  }
0x113: {  	[hbm4b:s25+s23] =	stream.strided.scatter [tilespmem:s29], [sflag:$0x4], $0x800, s26, s23, $0x38;
	[tilespmem:$0x2A00] =	vst v63  }
0x114: {  	_ =	swait.ge [sflag:s30], $0x800  }
0x115: {  	s28 =	sadd.s32 $0x1, s28;
	s31 =	rddreg [dreg:$0xa]  }
0x116: {  	p0 =	sne.s32 s28, s31  }
.Ltmp16:
0x117: {  	_ = 	snop;
	(pc) =	sbr.rel @p0 .LBB2_1-.Ltmp16, $3  }
0x118: {  	_ =	sdelay $0x1  }
0x119: {  	[sflag:s30] =	ssyncset.done $0x0  }
0x11a: {  	[sflag:s30] =	ssyncadd.s32 $0xFFFFF800  }
0x11b: {  	_ =	sfence.sel $0x180000  }
0x11c: {  	[bflag:$0x0] =	sbarrier.arrive $0xFFFF  }
0x11d: {  	_ =	strace $0x90000047  }
0x11e: {  	s0 =	stileid.u32;
	[bflag:$0x2] =	sbarrier.arrive $0xFFFF  }
0x11f: {  	p0 =	sne.s32 s0, $0x0;
	s0 =	rddreg [dreg:$0x5]  }
0x120: {  	s0 =	sadd.s32 @!p0 $0x100000, s0  }
0x121: {  	[sflag:s0] =	ssyncadd.tile.s32 @!p0 $0x1;
	_ =	shalt  }
.Lfunc_end2:
_tile_overlayer_lowered:
.L_overlay_start_2:
0x122: {  	(tag) =	ssettag $0x2  }
0x123: {  	s0 =	rddreg [dreg:$0x0];
	s2 =	stileid.u32  }
0x124: {  	s1 =	rddreg [dreg:$0x1];
	p0 =	sne.s32 s2, $0x0  }
0x125: {  	s3 =	rddreg [dreg:$0x2];
	[bflag:$0x3] =	sbarrier.arrive $0xFFFF;
	s2 =	simm.s32 @!p0 $0x1C04  }
0x126: {  	[timem:s3], [sflag:s2] =	dma.local @!p0 [hbm:s0], s1  }
0x127: {  	s0 =	simm.s32 @!p0 $0x4  }
0x128: {  	_ =	swait.ge @!p0 [sflag:s0], s1  }
0x129: {  	s1 =	ssub.s32 @!p0 $0x0, s1;
	[sflag:s0] =	ssyncset.done @!p0 $0x0  }
0x12a: {  	[sflag:s0] =	ssyncadd.s32 @!p0 s1  }
0x12b: {  	[bflag:$0x3] =	sbarrier.arrive $0xFFFF  }
0x12c: {  	_ =	shalt  }

</sc_bundles>
